<compile_context>
chip_gen: v7x
topology: tpu7x:2x2x1
jax: 0.10.2.dev20260603
libtpu: 0.0.44.dev20260713+nightly
codegen_flags: <defaults>
</compile_context>

<pallas_src>
import functools
import jax
import jax.numpy as jnp
from jax import lax
from jax.experimental import pallas as pl
from jax.experimental.pallas import tpu as pltpu
from jax.experimental.pallas import tpu_sc as plsc

N_TF = 2
MIX = 0.5
MAG = 5.0
NB_TF = 8

B = 256
C = 3
H = 224
W = 224
ROWS_PER_IMG = C * H
TOT_ROWS = B * ROWS_PER_IMG
VPR = W // 16
NW = 32
IMG_PER_W = B // NW
INV_N = 1.0 / (C * H * W)
BND = 120


def _sc_body(x_hbm, p_hbm, out_hbm, pbuf, buf0, buf1, sem0, sem1):
    cid = lax.axis_index("c")
    sid = lax.axis_index("s")
    wid = sid * 2 + cid

    def do_image(img_i, _):
        img = wid * IMG_PER_W + img_i
        base_row = img * ROWS_PER_IMG
        pltpu.sync_copy(p_hbm.at[img], pbuf)

        def chunk_sums(c_i, carry):
            s_acc, q_acc = carry
            pltpu.async_copy(
                x_hbm.at[pl.ds(base_row + c_i * H, H)], buf0, sem0
            ).wait()

            def row_sums(r, rcarry):
                sa, qa = rcarry
                for k in range(VPR):
                    v = buf0[r, pl.ds(k * 16, 16)]
                    sa = sa + v
                    qa = qa + jnp.where(v < 0.5, v, 1.0 - v)
                return sa, qa

            return lax.fori_loop(0, H, row_sums, (s_acc, q_acc))

        zero = jnp.zeros((16,), jnp.float32)
        s_acc, q_acc = lax.fori_loop(0, C, chunk_sums, (zero, zero))
        m1 = jnp.sum(s_acc) * INV_N
        msol = jnp.sum(q_acc) * INV_N

        a1 = pbuf[0]
        b1 = pbuf[1] + pbuf[2] * m1
        s1m = pbuf[3] > 0.5
        a2 = pbuf[4]
        gam = pbuf[7]
        m2 = (1.0 - gam) * (a1 * m1 + b1) + gam * msol
        b2 = pbuf[5] + pbuf[6] * m2
        s2m = pbuf[8] > 0.5
        fwm = pbuf[9] > 0.5
        t1f = jnp.max(pbuf[10]) > 0.5
        t2f = jnp.max(pbuf[11]) > 0.5

        def do_chunk(c_i, _):
            ch_base = base_row + c_i * H
            pltpu.async_copy(x_hbm.at[pl.ds(ch_base, H)], buf0, sem0).wait()

            def pointwise(v):
                u = a1 * v + b1
                u = jnp.where(s1m & (u >= 0.5), 1.0 - u, u)
                t = a2 * u + b2
                return jnp.where(s2m & (t >= 0.5), 1.0 - t, t)

            def do_row(r, _):
                h2 = jnp.where(t2f & (r < BND), (H - 1) - r, r)
                rs = jnp.where(t1f, (H - 1) - h2, h2)
                for k in range(VPR // 2):
                    kr = VPR - 1 - k
                    va = pointwise(buf0[rs, pl.ds(k * 16, 16)])
                    vb = pointwise(buf0[rs, pl.ds(kr * 16, 16)])
                    buf1[r, pl.ds(k * 16, 16)] = jnp.where(
                        fwm, lax.rev(vb, (0,)), va
                    )
                    buf1[r, pl.ds(kr * 16, 16)] = jnp.where(
                        fwm, lax.rev(va, (0,)), vb
                    )
                return 0

            lax.fori_loop(0, H, do_row, 0)
            pltpu.async_copy(
                buf1, out_hbm.at[pl.ds(ch_base, H)], sem1
            ).wait()
            return 0

        lax.fori_loop(0, C, do_chunk, 0)
        return 0

    lax.fori_loop(0, IMG_PER_W, do_image, 0)


@jax.jit
def _run(x2, params):
    mesh = plsc.VectorSubcoreMesh(core_axis_name="c", subcore_axis_name="s")
    f = functools.partial(
        pl.kernel,
        mesh=mesh,
        out_type=jax.ShapeDtypeStruct((TOT_ROWS, W), jnp.float32),
        scratch_types=[
            pltpu.VMEM((12, 16), jnp.float32),
            pltpu.VMEM((H, W), jnp.float32),
            pltpu.VMEM((H, W), jnp.float32),
            pltpu.SemaphoreType.DMA,
            pltpu.SemaphoreType.DMA,
        ],
        compiler_params=pltpu.CompilerParams(
            needs_layout_passes=False, use_tc_tiling_on_sc=False
        ),
    )(_sc_body)
    return f(x2, params)


def kernel(x, prob):
    key = jax.random.key(42)
    samples = []
    for step in range(N_TF):
        uniforme_dist = jax.nn.softmax(jnp.ones((1, NB_TF), dtype=jnp.float32), axis=1)
        distrib = jax.nn.softmax(MIX * prob + (1.0 - MIX) * uniforme_dist, axis=1)
        logits = jnp.log(distrib[0])
        samples.append(
            jax.random.categorical(jax.random.fold_in(key, step), logits, shape=(B,))
        )
    t1, t2 = samples

    A = jnp.array([1, 1, 1, 1, 1.5, -1, 1, 1 + MAG * 0.02], jnp.float32)
    Bc = jnp.array([0, 0, 0, MAG * 0.02, 0, 1, 0, 0], jnp.float32)
    MC = jnp.array([0, 0, 0, 0, -0.5, 0, 0, 0], jnp.float32)
    S = jnp.array([0, 0, 0, 0, 0, 0, 1, 0], jnp.float32)

    fW = ((t1 == 1) ^ (t2 == 1)).astype(jnp.float32)
    f1UD = (t1 == 2).astype(jnp.float32)
    f2UD = (t2 == 2).astype(jnp.float32)
    gam = (t1 == 6).astype(jnp.float32)
    P = jnp.stack(
        [A[t1], Bc[t1], MC[t1], S[t1], A[t2], Bc[t2], MC[t2], gam, S[t2],
         fW, f1UD, f2UD],
        axis=1,
    )
    P = jnp.broadcast_to(P[:, :, None], (B, 12, 16)).astype(jnp.float32)

    x2 = x.reshape(TOT_ROWS, W)
    out2 = _run(x2, P)
    return out2.reshape(B, C, H, W)

# --- scband reference (transcript-rebuilt; emitter-appended) ---
"""Pipeline reference for scband-data-aug-v4-2173253452141 (READ-ONLY COPY).

The authoritative reference and input builder live on the scoring server;
editing this copy changes nothing except your own understanding.
"""

import jax, jax.numpy as jnp
import numpy as np

N_TF = 2
MIX = 0.5
MAG = 5.0
NB_TF = 8


def _transforms(x):
    # 8 simple image transforms standing in for TF_dict entries (mag fixed at 5)
    mean = jnp.mean(x, axis=(1, 2, 3), keepdims=True)
    return [
        x,                                      # Identity
        x[..., ::-1],                           # FlipLR
        x[:, :, ::-1, :],                       # FlipUD
        x + MAG * 0.02,                         # Brightness
        mean + (x - mean) * (1.0 + MAG * 0.1),  # Contrast
        1.0 - x,                                # Invert
        jnp.where(x < 0.5, x, 1.0 - x),         # Solarize
        x * (1.0 + MAG * 0.02),                 # Color/gain
    ]


def _apply_sampled(x, sample):
    # x[mask] = TF[tf_idx](x[mask]) for each tf_idx, expressed as masked merge
    tfs = _transforms(x)
    out = jnp.zeros_like(x)
    for tf_idx in range(NB_TF):
        mask = (sample == tf_idx)[:, None, None, None]
        out = out + jnp.where(mask, tfs[tf_idx], 0.0)
    return out


def setup_inputs(seed: int = 0) -> dict:
    key = jax.random.key(seed)
    k1, k2 = jax.random.split(key)
    x = jax.random.uniform(k1, (256, 3, 224, 224), dtype=jnp.float32)
    prob = jnp.ones((NB_TF,), dtype=jnp.float32) / NB_TF  # learned routing params
    return {"x": x, "prob": prob}


def reference(x, prob):
    key = jax.random.key(42)
    batch_size = x.shape[0]
    for step in range(N_TF):
        uniforme_dist = jax.nn.softmax(jnp.ones((1, NB_TF), dtype=jnp.float32), axis=1)
        # mix_dist != 0 -> mixed distribution, then softmax (as in torch forward)
        distrib = jax.nn.softmax(MIX * prob + (1.0 - MIX) * uniforme_dist, axis=1)
        logits = jnp.log(distrib[0])
        sample = jax.random.categorical(jax.random.fold_in(key, step), logits, shape=(batch_size,))
        x = _apply_sampled(x, sample)
    return x

if __name__ == "__main__":
    import jax
    _d = setup_inputs()
    print(jax.jit(kernel)(*tuple(_d.values())))

</pallas_src>

<mosaic_0001>
#map = affine_map<(d0, d1) -> (0, 0)>
#map1 = affine_map<(d0, d1) -> (0, 0, 0)>
module attributes {stable_mosaic.version = 14 : i64} {
  func.func @_sc_body(%arg0: i32, %arg1: i32, %arg2: memref<172032x224xf32, #tpu.memory_space<hbm>>, %arg3: memref<256x12x16xf32, #tpu.memory_space<hbm>>, %arg4: memref<172032x224xf32, #tpu.memory_space<hbm>>, %arg5: memref<12x16xf32, #tpu.memory_space<vmem>>, %arg6: memref<224x224xf32, #tpu.memory_space<vmem>>, %arg7: memref<224x224xf32, #tpu.memory_space<vmem>>, %arg8: memref<!tpu.dma_semaphore, #tpu.memory_space<semaphore_mem>>, %arg9: memref<!tpu.dma_semaphore, #tpu.memory_space<semaphore_mem>>) attributes {dimension_semantics = [#tpu.dimension_semantics<core_parallel>, #tpu.dimension_semantics<subcore_parallel>], iteration_bounds = array<i64: 2, 16>, scalar_prefetch = 0 : i64, scratch_operands = 5 : i64, tpu.core_type = #tpu.core_type<sc_vector_subcore>, window_params = [{transform_indices = #map}, {transform_indices = #map1}, {transform_indices = #map}]} {
    %mul3A = arith.constant 2 : i32
    %mul3A_0 = arith.muli %arg1, %mul3A : i32
    %add3A = arith.addi %mul3A_0, %arg0 : i32
    %scan3A = arith.constant 0 : i32
    %scan3A_1 = arith.constant 0 : i32
    %scan3A_2 = arith.constant 8 : i32
    %scan3A_3 = arith.addi %scan3A_1, %scan3A_2 : i32
    %scan3A_4 = arith.constant 1 : i32
    %scan3A_5 = scf.for %scan3A_7 = %scan3A_1 to %scan3A_3 step %scan3A_4 iter_args(%scan3A_8 = %scan3A) -> (i32)  : i32 {
      %mul3A_9 = arith.constant 8 : i32
      %mul3A_10 = arith.muli %add3A, %mul3A_9 : i32
      %add3A_11 = arith.addi %mul3A_10, %scan3A_7 : i32
      %mul3A_12 = arith.constant 672 : i32
      %mul3A_13 = arith.muli %add3A_11, %mul3A_12 : i32
      "tpu.region"() ({
        %run_scoped3A = tpu.sem_alloc : memref<!tpu.dma_semaphore, #tpu.memory_space<semaphore_mem>>
        %dma_start3A = arith.constant 0 : i32
        %dma_start3A_120 = arith.constant 0 : i32
        %dma_start3A_121 = tpu.memref_slice %arg3[%add3A_11, %dma_start3A, %dma_start3A_120] : memref<256x12x16xf32, #tpu.memory_space<hbm>> -> memref<1x12x16xf32, #tpu.memory_space<hbm>>
        %dma_start3A_122 = tpu.memref_squeeze %dma_start3A_121 : memref<1x12x16xf32, #tpu.memory_space<hbm>> -> memref<12x16xf32, #tpu.memory_space<hbm>>
        %dma_start3A_123 = arith.constant 0 : i32
        %dma_start3A_124 = arith.constant 0 : i32
        %dma_start3A_125 = tpu.memref_slice %arg3[%add3A_11, %dma_start3A_123, %dma_start3A_124] : memref<256x12x16xf32, #tpu.memory_space<hbm>> -> memref<1x12x16xf32, #tpu.memory_space<hbm>>
        %dma_start3A_126 = tpu.memref_squeeze %dma_start3A_125 : memref<1x12x16xf32, #tpu.memory_space<hbm>> -> memref<12x16xf32, #tpu.memory_space<hbm>>
        tpu.enqueue_dma source(%dma_start3A_126 : memref<12x16xf32, #tpu.memory_space<hbm>>) target(%arg5 : memref<12x16xf32, #tpu.memory_space<vmem>>) target_semaphore(%run_scoped3A : memref<!tpu.dma_semaphore, #tpu.memory_space<semaphore_mem>>)
        %dma_wait3A = arith.constant 0 : i32
        %dma_wait3A_127 = arith.constant 0 : i32
        %dma_wait3A_128 = tpu.memref_slice %arg3[%add3A_11, %dma_wait3A, %dma_wait3A_127] : memref<256x12x16xf32, #tpu.memory_space<hbm>> -> memref<1x12x16xf32, #tpu.memory_space<hbm>>
        %dma_wait3A_129 = tpu.memref_squeeze %dma_wait3A_128 : memref<1x12x16xf32, #tpu.memory_space<hbm>> -> memref<12x16xf32, #tpu.memory_space<hbm>>
        %dma_wait3A_130 = arith.constant 0 : i32
        %dma_wait3A_131 = arith.constant 0 : i32
        %dma_wait3A_132 = tpu.memref_slice %arg3[%add3A_11, %dma_wait3A_130, %dma_wait3A_131] : memref<256x12x16xf32, #tpu.memory_space<hbm>> -> memref<1x12x16xf32, #tpu.memory_space<hbm>>
        %dma_wait3A_133 = tpu.memref_squeeze %dma_wait3A_132 : memref<1x12x16xf32, #tpu.memory_space<hbm>> -> memref<12x16xf32, #tpu.memory_space<hbm>>
        tpu.wait_dma2 semaphore(%run_scoped3A : memref<!tpu.dma_semaphore, #tpu.memory_space<semaphore_mem>>) src(%dma_wait3A_133 : memref<12x16xf32, #tpu.memory_space<hbm>>) dst(%arg5 : memref<12x16xf32, #tpu.memory_space<vmem>>)
        tpu.yield
      }) : () -> ()
      %broadcast_in_dim3A = arith.constant 0.000000e+00 : f32
      %broadcast_in_dim3A_14 = vector.broadcast %broadcast_in_dim3A : f32 to vector<16xf32>
      %scan3A_15 = arith.constant 0 : i32
      %scan3A_16 = arith.constant 3 : i32
      %scan3A_17 = arith.addi %scan3A_15, %scan3A_16 : i32
      %scan3A_18 = arith.constant 1 : i32
      %scan3A_19:2 = scf.for %scan3A_120 = %scan3A_15 to %scan3A_17 step %scan3A_18 iter_args(%scan3A_121 = %broadcast_in_dim3A_14, %scan3A_122 = %broadcast_in_dim3A_14) -> (vector<16xf32>, vector<16xf32>)  : i32 {
        %mul3A_123 = arith.constant 224 : i32
        %mul3A_124 = arith.muli %scan3A_120, %mul3A_123 : i32
        %add3A_125 = arith.addi %mul3A_13, %mul3A_124 : i32
        %dma_start3A = arith.constant 0 : i32
        %dma_start3A_126 = tpu.memref_slice %arg2[%add3A_125, %dma_start3A] : memref<172032x224xf32, #tpu.memory_space<hbm>> -> memref<224x224xf32, #tpu.memory_space<hbm>>
        %dma_start3A_127 = arith.constant 0 : i32
        %dma_start3A_128 = tpu.memref_slice %arg2[%add3A_125, %dma_start3A_127] : memref<172032x224xf32, #tpu.memory_space<hbm>> -> memref<224x224xf32, #tpu.memory_space<hbm>>
        tpu.enqueue_dma source(%dma_start3A_128 : memref<224x224xf32, #tpu.memory_space<hbm>>) target(%arg6 : memref<224x224xf32, #tpu.memory_space<vmem>>) target_semaphore(%arg8 : memref<!tpu.dma_semaphore, #tpu.memory_space<semaphore_mem>>)
        %dma_wait3A = arith.constant 0 : i32
        %dma_wait3A_129 = tpu.memref_slice %arg2[%add3A_125, %dma_wait3A] : memref<172032x224xf32, #tpu.memory_space<hbm>> -> memref<224x224xf32, #tpu.memory_space<hbm>>
        %dma_wait3A_130 = arith.constant 0 : i32
        %dma_wait3A_131 = tpu.memref_slice %arg2[%add3A_125, %dma_wait3A_130] : memref<172032x224xf32, #tpu.memory_space<hbm>> -> memref<224x224xf32, #tpu.memory_space<hbm>>
        tpu.wait_dma2 semaphore(%arg8 : memref<!tpu.dma_semaphore, #tpu.memory_space<semaphore_mem>>) src(%dma_wait3A_131 : memref<224x224xf32, #tpu.memory_space<hbm>>) dst(%arg6 : memref<224x224xf32, #tpu.memory_space<vmem>>)
        %scan3A_132 = arith.constant 0 : i32
        %scan3A_133 = arith.constant 224 : i32
        %scan3A_134 = arith.addi %scan3A_132, %scan3A_133 : i32
        %scan3A_135 = arith.constant 1 : i32
        %scan3A_136:2 = scf.for %scan3A_138 = %scan3A_132 to %scan3A_134 step %scan3A_135 iter_args(%scan3A_139 = %scan3A_121, %scan3A_140 = %scan3A_122) -> (vector<16xf32>, vector<16xf32>)  : i32 {
          %get3A_141 = arith.index_cast %scan3A_138 : i32 to index
          %get3A_142 = arith.constant 0 : index
          %get3A_143 = tpu.vector_load %arg6[%get3A_141, %get3A_142] {strides = array<i32>} : memref<224x224xf32, #tpu.memory_space<vmem>>, vector<16xf32>,
          %add3A_144 = arith.addf %scan3A_139, %get3A_143 : vector<16xf32>
          %lt3A = arith.constant 5.000000e-01 : f32
          %lt3A_145 = vector.broadcast %lt3A : f32 to vector<16xf32>
          %lt3A_146 = arith.cmpf olt, %get3A_143, %lt3A_145 : vector<16xf32>
          %sub3A_147 = arith.constant 1.000000e+00 : f32
          %sub3A_148 = vector.broadcast %sub3A_147 : f32 to vector<16xf32>
          %sub3A_149 = arith.subf %sub3A_148, %get3A_143 : vector<16xf32>
          %select_n3A = arith.select %lt3A_146, %get3A_143, %sub3A_149 : vector<16xi1>, vector<16xf32>
          %add3A_150 = arith.addf %scan3A_140, %select_n3A : vector<16xf32>
          %get3A_151 = arith.index_cast %scan3A_138 : i32 to index
          %get3A_152 = arith.constant 16 : index
          %get3A_153 = tpu.vector_load %arg6[%get3A_151, %get3A_152] {strides = array<i32>} : memref<224x224xf32, #tpu.memory_space<vmem>>, vector<16xf32>,
          %add3A_154 = arith.addf %add3A_144, %get3A_153 : vector<16xf32>
          %lt3A_155 = arith.constant 5.000000e-01 : f32
          %lt3A_156 = vector.broadcast %lt3A_155 : f32 to vector<16xf32>
          %lt3A_157 = arith.cmpf olt, %get3A_153, %lt3A_156 : vector<16xf32>
          %sub3A_158 = arith.constant 1.000000e+00 : f32
          %sub3A_159 = vector.broadcast %sub3A_158 : f32 to vector<16xf32>
          %sub3A_160 = arith.subf %sub3A_159, %get3A_153 : vector<16xf32>
          %select_n3A_161 = arith.select %lt3A_157, %get3A_153, %sub3A_160 : vector<16xi1>, vector<16xf32>
          %add3A_162 = arith.addf %add3A_150, %select_n3A_161 : vector<16xf32>
          %get3A_163 = arith.index_cast %scan3A_138 : i32 to index
          %get3A_164 = arith.constant 32 : index
          %get3A_165 = tpu.vector_load %arg6[%get3A_163, %get3A_164] {strides = array<i32>} : memref<224x224xf32, #tpu.memory_space<vmem>>, vector<16xf32>,
          %add3A_166 = arith.addf %add3A_154, %get3A_165 : vector<16xf32>
          %lt3A_167 = arith.constant 5.000000e-01 : f32
          %lt3A_168 = vector.broadcast %lt3A_167 : f32 to vector<16xf32>
          %lt3A_169 = arith.cmpf olt, %get3A_165, %lt3A_168 : vector<16xf32>
          %sub3A_170 = arith.constant 1.000000e+00 : f32
          %sub3A_171 = vector.broadcast %sub3A_170 : f32 to vector<16xf32>
          %sub3A_172 = arith.subf %sub3A_171, %get3A_165 : vector<16xf32>
          %select_n3A_173 = arith.select %lt3A_169, %get3A_165, %sub3A_172 : vector<16xi1>, vector<16xf32>
          %add3A_174 = arith.addf %add3A_162, %select_n3A_173 : vector<16xf32>
          %get3A_175 = arith.index_cast %scan3A_138 : i32 to index
          %get3A_176 = arith.constant 48 : index
          %get3A_177 = tpu.vector_load %arg6[%get3A_175, %get3A_176] {strides = array<i32>} : memref<224x224xf32, #tpu.memory_space<vmem>>, vector<16xf32>,
          %add3A_178 = arith.addf %add3A_166, %get3A_177 : vector<16xf32>
          %lt3A_179 = arith.constant 5.000000e-01 : f32
          %lt3A_180 = vector.broadcast %lt3A_179 : f32 to vector<16xf32>
          %lt3A_181 = arith.cmpf olt, %get3A_177, %lt3A_180 : vector<16xf32>
          %sub3A_182 = arith.constant 1.000000e+00 : f32
          %sub3A_183 = vector.broadcast %sub3A_182 : f32 to vector<16xf32>
          %sub3A_184 = arith.subf %sub3A_183, %get3A_177 : vector<16xf32>
          %select_n3A_185 = arith.select %lt3A_181, %get3A_177, %sub3A_184 : vector<16xi1>, vector<16xf32>
          %add3A_186 = arith.addf %add3A_174, %select_n3A_185 : vector<16xf32>
          %get3A_187 = arith.index_cast %scan3A_138 : i32 to index
          %get3A_188 = arith.constant 64 : index
          %get3A_189 = tpu.vector_load %arg6[%get3A_187, %get3A_188] {strides = array<i32>} : memref<224x224xf32, #tpu.memory_space<vmem>>, vector<16xf32>,
          %add3A_190 = arith.addf %add3A_178, %get3A_189 : vector<16xf32>
          %lt3A_191 = arith.constant 5.000000e-01 : f32
          %lt3A_192 = vector.broadcast %lt3A_191 : f32 to vector<16xf32>
          %lt3A_193 = arith.cmpf olt, %get3A_189, %lt3A_192 : vector<16xf32>
          %sub3A_194 = arith.constant 1.000000e+00 : f32
          %sub3A_195 = vector.broadcast %sub3A_194 : f32 to vector<16xf32>
          %sub3A_196 = arith.subf %sub3A_195, %get3A_189 : vector<16xf32>
          %select_n3A_197 = arith.select %lt3A_193, %get3A_189, %sub3A_196 : vector<16xi1>, vector<16xf32>
          %add3A_198 = arith.addf %add3A_186, %select_n3A_197 : vector<16xf32>
          %get3A_199 = arith.index_cast %scan3A_138 : i32 to index
          %get3A_200 = arith.constant 80 : index
          %get3A_201 = tpu.vector_load %arg6[%get3A_199, %get3A_200] {strides = array<i32>} : memref<224x224xf32, #tpu.memory_space<vmem>>, vector<16xf32>,
          %add3A_202 = arith.addf %add3A_190, %get3A_201 : vector<16xf32>
          %lt3A_203 = arith.constant 5.000000e-01 : f32
          %lt3A_204 = vector.broadcast %lt3A_203 : f32 to vector<16xf32>
          %lt3A_205 = arith.cmpf olt, %get3A_201, %lt3A_204 : vector<16xf32>
          %sub3A_206 = arith.constant 1.000000e+00 : f32
          %sub3A_207 = vector.broadcast %sub3A_206 : f32 to vector<16xf32>
          %sub3A_208 = arith.subf %sub3A_207, %get3A_201 : vector<16xf32>
          %select_n3A_209 = arith.select %lt3A_205, %get3A_201, %sub3A_208 : vector<16xi1>, vector<16xf32>
          %add3A_210 = arith.addf %add3A_198, %select_n3A_209 : vector<16xf32>
          %get3A_211 = arith.index_cast %scan3A_138 : i32 to index
          %get3A_212 = arith.constant 96 : index
          %get3A_213 = tpu.vector_load %arg6[%get3A_211, %get3A_212] {strides = array<i32>} : memref<224x224xf32, #tpu.memory_space<vmem>>, vector<16xf32>,
          %add3A_214 = arith.addf %add3A_202, %get3A_213 : vector<16xf32>
          %lt3A_215 = arith.constant 5.000000e-01 : f32
          %lt3A_216 = vector.broadcast %lt3A_215 : f32 to vector<16xf32>
          %lt3A_217 = arith.cmpf olt, %get3A_213, %lt3A_216 : vector<16xf32>
          %sub3A_218 = arith.constant 1.000000e+00 : f32
          %sub3A_219 = vector.broadcast %sub3A_218 : f32 to vector<16xf32>
          %sub3A_220 = arith.subf %sub3A_219, %get3A_213 : vector<16xf32>
          %select_n3A_221 = arith.select %lt3A_217, %get3A_213, %sub3A_220 : vector<16xi1>, vector<16xf32>
          %add3A_222 = arith.addf %add3A_210, %select_n3A_221 : vector<16xf32>
          %get3A_223 = arith.index_cast %scan3A_138 : i32 to index
          %get3A_224 = arith.constant 112 : index
          %get3A_225 = tpu.vector_load %arg6[%get3A_223, %get3A_224] {strides = array<i32>} : memref<224x224xf32, #tpu.memory_space<vmem>>, vector<16xf32>,
          %add3A_226 = arith.addf %add3A_214, %get3A_225 : vector<16xf32>
          %lt3A_227 = arith.constant 5.000000e-01 : f32
          %lt3A_228 = vector.broadcast %lt3A_227 : f32 to vector<16xf32>
          %lt3A_229 = arith.cmpf olt, %get3A_225, %lt3A_228 : vector<16xf32>
          %sub3A_230 = arith.constant 1.000000e+00 : f32
          %sub3A_231 = vector.broadcast %sub3A_230 : f32 to vector<16xf32>
          %sub3A_232 = arith.subf %sub3A_231, %get3A_225 : vector<16xf32>
          %select_n3A_233 = arith.select %lt3A_229, %get3A_225, %sub3A_232 : vector<16xi1>, vector<16xf32>
          %add3A_234 = arith.addf %add3A_222, %select_n3A_233 : vector<16xf32>
          %get3A_235 = arith.index_cast %scan3A_138 : i32 to index
          %get3A_236 = arith.constant 128 : index
          %get3A_237 = tpu.vector_load %arg6[%get3A_235, %get3A_236] {strides = array<i32>} : memref<224x224xf32, #tpu.memory_space<vmem>>, vector<16xf32>,
          %add3A_238 = arith.addf %add3A_226, %get3A_237 : vector<16xf32>
          %lt3A_239 = arith.constant 5.000000e-01 : f32
          %lt3A_240 = vector.broadcast %lt3A_239 : f32 to vector<16xf32>
          %lt3A_241 = arith.cmpf olt, %get3A_237, %lt3A_240 : vector<16xf32>
          %sub3A_242 = arith.constant 1.000000e+00 : f32
          %sub3A_243 = vector.broadcast %sub3A_242 : f32 to vector<16xf32>
          %sub3A_244 = arith.subf %sub3A_243, %get3A_237 : vector<16xf32>
          %select_n3A_245 = arith.select %lt3A_241, %get3A_237, %sub3A_244 : vector<16xi1>, vector<16xf32>
          %add3A_246 = arith.addf %add3A_234, %select_n3A_245 : vector<16xf32>
          %get3A_247 = arith.index_cast %scan3A_138 : i32 to index
          %get3A_248 = arith.constant 144 : index
          %get3A_249 = tpu.vector_load %arg6[%get3A_247, %get3A_248] {strides = array<i32>} : memref<224x224xf32, #tpu.memory_space<vmem>>, vector<16xf32>,
          %add3A_250 = arith.addf %add3A_238, %get3A_249 : vector<16xf32>
          %lt3A_251 = arith.constant 5.000000e-01 : f32
          %lt3A_252 = vector.broadcast %lt3A_251 : f32 to vector<16xf32>
          %lt3A_253 = arith.cmpf olt, %get3A_249, %lt3A_252 : vector<16xf32>
          %sub3A_254 = arith.constant 1.000000e+00 : f32
          %sub3A_255 = vector.broadcast %sub3A_254 : f32 to vector<16xf32>
          %sub3A_256 = arith.subf %sub3A_255, %get3A_249 : vector<16xf32>
          %select_n3A_257 = arith.select %lt3A_253, %get3A_249, %sub3A_256 : vector<16xi1>, vector<16xf32>
          %add3A_258 = arith.addf %add3A_246, %select_n3A_257 : vector<16xf32>
          %get3A_259 = arith.index_cast %scan3A_138 : i32 to index
          %get3A_260 = arith.constant 160 : index
          %get3A_261 = tpu.vector_load %arg6[%get3A_259, %get3A_260] {strides = array<i32>} : memref<224x224xf32, #tpu.memory_space<vmem>>, vector<16xf32>,
          %add3A_262 = arith.addf %add3A_250, %get3A_261 : vector<16xf32>
          %lt3A_263 = arith.constant 5.000000e-01 : f32
          %lt3A_264 = vector.broadcast %lt3A_263 : f32 to vector<16xf32>
          %lt3A_265 = arith.cmpf olt, %get3A_261, %lt3A_264 : vector<16xf32>
          %sub3A_266 = arith.constant 1.000000e+00 : f32
          %sub3A_267 = vector.broadcast %sub3A_266 : f32 to vector<16xf32>
          %sub3A_268 = arith.subf %sub3A_267, %get3A_261 : vector<16xf32>
          %select_n3A_269 = arith.select %lt3A_265, %get3A_261, %sub3A_268 : vector<16xi1>, vector<16xf32>
          %add3A_270 = arith.addf %add3A_258, %select_n3A_269 : vector<16xf32>
          %get3A_271 = arith.index_cast %scan3A_138 : i32 to index
          %get3A_272 = arith.constant 176 : index
          %get3A_273 = tpu.vector_load %arg6[%get3A_271, %get3A_272] {strides = array<i32>} : memref<224x224xf32, #tpu.memory_space<vmem>>, vector<16xf32>,
          %add3A_274 = arith.addf %add3A_262, %get3A_273 : vector<16xf32>
          %lt3A_275 = arith.constant 5.000000e-01 : f32
          %lt3A_276 = vector.broadcast %lt3A_275 : f32 to vector<16xf32>
          %lt3A_277 = arith.cmpf olt, %get3A_273, %lt3A_276 : vector<16xf32>
          %sub3A_278 = arith.constant 1.000000e+00 : f32
          %sub3A_279 = vector.broadcast %sub3A_278 : f32 to vector<16xf32>
          %sub3A_280 = arith.subf %sub3A_279, %get3A_273 : vector<16xf32>
          %select_n3A_281 = arith.select %lt3A_277, %get3A_273, %sub3A_280 : vector<16xi1>, vector<16xf32>
          %add3A_282 = arith.addf %add3A_270, %select_n3A_281 : vector<16xf32>
          %get3A_283 = arith.index_cast %scan3A_138 : i32 to index
          %get3A_284 = arith.constant 192 : index
          %get3A_285 = tpu.vector_load %arg6[%get3A_283, %get3A_284] {strides = array<i32>} : memref<224x224xf32, #tpu.memory_space<vmem>>, vector<16xf32>,
          %add3A_286 = arith.addf %add3A_274, %get3A_285 : vector<16xf32>
          %lt3A_287 = arith.constant 5.000000e-01 : f32
          %lt3A_288 = vector.broadcast %lt3A_287 : f32 to vector<16xf32>
          %lt3A_289 = arith.cmpf olt, %get3A_285, %lt3A_288 : vector<16xf32>
          %sub3A_290 = arith.constant 1.000000e+00 : f32
          %sub3A_291 = vector.broadcast %sub3A_290 : f32 to vector<16xf32>
          %sub3A_292 = arith.subf %sub3A_291, %get3A_285 : vector<16xf32>
          %select_n3A_293 = arith.select %lt3A_289, %get3A_285, %sub3A_292 : vector<16xi1>, vector<16xf32>
          %add3A_294 = arith.addf %add3A_282, %select_n3A_293 : vector<16xf32>
          %get3A_295 = arith.index_cast %scan3A_138 : i32 to index
          %get3A_296 = arith.constant 208 : index
          %get3A_297 = tpu.vector_load %arg6[%get3A_295, %get3A_296] {strides = array<i32>} : memref<224x224xf32, #tpu.memory_space<vmem>>, vector<16xf32>,
          %add3A_298 = arith.addf %add3A_286, %get3A_297 : vector<16xf32>
          %lt3A_299 = arith.constant 5.000000e-01 : f32
          %lt3A_300 = vector.broadcast %lt3A_299 : f32 to vector<16xf32>
          %lt3A_301 = arith.cmpf olt, %get3A_297, %lt3A_300 : vector<16xf32>
          %sub3A_302 = arith.constant 1.000000e+00 : f32
          %sub3A_303 = vector.broadcast %sub3A_302 : f32 to vector<16xf32>
          %sub3A_304 = arith.subf %sub3A_303, %get3A_297 : vector<16xf32>
          %select_n3A_305 = arith.select %lt3A_301, %get3A_297, %sub3A_304 : vector<16xi1>, vector<16xf32>
          %add3A_306 = arith.addf %add3A_294, %select_n3A_305 : vector<16xf32>
          scf.yield %add3A_298, %add3A_306 : vector<16xf32>, vector<16xf32>
        }
        %scan3A_137 = arith.constant 224 : i32
        scf.yield %scan3A_136#0, %scan3A_136#1 : vector<16xf32>, vector<16xf32>
      }
      %scan3A_20 = arith.constant 3 : i32
      %reduce_sum3A = arith.constant true
      %reduce_sum3A_21 = vector.broadcast %reduce_sum3A : i1 to vector<16xi1>
      %reduce_sum3A_22 = tpu.scan <sum>, %scan3A_19#0 masked %reduce_sum3A_21 : vector<16xf32>, vector<16xi1> -> vector<16xf32>
      %reduce_sum3A_23 = vector.extract %reduce_sum3A_22[15] : f32 from vector<16xf32>
      %mul3A_24 = arith.constant 6.64328218E-6 : f32
      %mul3A_25 = arith.mulf %reduce_sum3A_23, %mul3A_24 : f32
      %reduce_sum3A_26 = arith.constant true
      %reduce_sum3A_27 = vector.broadcast %reduce_sum3A_26 : i1 to vector<16xi1>
      %reduce_sum3A_28 = tpu.scan <sum>, %scan3A_19#1 masked %reduce_sum3A_27 : vector<16xf32>, vector<16xi1> -> vector<16xf32>
      %reduce_sum3A_29 = vector.extract %reduce_sum3A_28[15] : f32 from vector<16xf32>
      %mul3A_30 = arith.constant 6.64328218E-6 : f32
      %mul3A_31 = arith.mulf %reduce_sum3A_29, %mul3A_30 : f32
      %get3A = arith.constant 0 : i32
      %get3A_32 = arith.index_cast %get3A : i32 to index
      %get3A_33 = arith.constant 0 : index
      %get3A_34 = tpu.vector_load %arg5[%get3A_32, %get3A_33] {strides = array<i32>} : memref<12x16xf32, #tpu.memory_space<vmem>>, vector<16xf32>,
      %get3A_35 = arith.constant 1 : i32
      %get3A_36 = arith.index_cast %get3A_35 : i32 to index
      %get3A_37 = arith.constant 0 : index
      %get3A_38 = tpu.vector_load %arg5[%get3A_36, %get3A_37] {strides = array<i32>} : memref<12x16xf32, #tpu.memory_space<vmem>>, vector<16xf32>,
      %get3A_39 = arith.constant 2 : i32
      %get3A_40 = arith.index_cast %get3A_39 : i32 to index
      %get3A_41 = arith.constant 0 : index
      %get3A_42 = tpu.vector_load %arg5[%get3A_40, %get3A_41] {strides = array<i32>} : memref<12x16xf32, #tpu.memory_space<vmem>>, vector<16xf32>,
      %mul3A_43 = vector.broadcast %mul3A_25 : f32 to vector<16xf32>
      %mul3A_44 = arith.mulf %get3A_42, %mul3A_43 : vector<16xf32>
      %add3A_45 = arith.addf %get3A_38, %mul3A_44 : vector<16xf32>
      %get3A_46 = arith.constant 3 : i32
      %get3A_47 = arith.index_cast %get3A_46 : i32 to index
      %get3A_48 = arith.constant 0 : index
      %get3A_49 = tpu.vector_load %arg5[%get3A_47, %get3A_48] {strides = array<i32>} : memref<12x16xf32, #tpu.memory_space<vmem>>, vector<16xf32>,
      %gt3A = arith.constant 5.000000e-01 : f32
      %gt3A_50 = vector.broadcast %gt3A : f32 to vector<16xf32>
      %gt3A_51 = arith.cmpf ogt, %get3A_49, %gt3A_50 : vector<16xf32>
      %get3A_52 = arith.constant 4 : i32
      %get3A_53 = arith.index_cast %get3A_52 : i32 to index
      %get3A_54 = arith.constant 0 : index
      %get3A_55 = tpu.vector_load %arg5[%get3A_53, %get3A_54] {strides = array<i32>} : memref<12x16xf32, #tpu.memory_space<vmem>>, vector<16xf32>,
      %get3A_56 = arith.constant 7 : i32
      %get3A_57 = arith.index_cast %get3A_56 : i32 to index
      %get3A_58 = arith.constant 0 : index
      %get3A_59 = tpu.vector_load %arg5[%get3A_57, %get3A_58] {strides = array<i32>} : memref<12x16xf32, #tpu.memory_space<vmem>>, vector<16xf32>,
      %sub3A = arith.constant 1.000000e+00 : f32
      %sub3A_60 = vector.broadcast %sub3A : f32 to vector<16xf32>
      %sub3A_61 = arith.subf %sub3A_60, %get3A_59 : vector<16xf32>
      %mul3A_62 = vector.broadcast %mul3A_25 : f32 to vector<16xf32>
      %mul3A_63 = arith.mulf %get3A_34, %mul3A_62 : vector<16xf32>
      %add3A_64 = arith.addf %mul3A_63, %add3A_45 : vector<16xf32>
      %mul3A_65 = arith.mulf %sub3A_61, %add3A_64 : vector<16xf32>
      %mul3A_66 = vector.broadcast %mul3A_31 : f32 to vector<16xf32>
      %mul3A_67 = arith.mulf %get3A_59, %mul3A_66 : vector<16xf32>
      %add3A_68 = arith.addf %mul3A_65, %mul3A_67 : vector<16xf32>
      %get3A_69 = arith.constant 5 : i32
      %get3A_70 = arith.index_cast %get3A_69 : i32 to index
      %get3A_71 = arith.constant 0 : index
      %get3A_72 = tpu.vector_load %arg5[%get3A_70, %get3A_71] {strides = array<i32>} : memref<12x16xf32, #tpu.memory_space<vmem>>, vector<16xf32>,
      %get3A_73 = arith.constant 6 : i32
      %get3A_74 = arith.index_cast %get3A_73 : i32 to index
      %get3A_75 = arith.constant 0 : index
      %get3A_76 = tpu.vector_load %arg5[%get3A_74, %get3A_75] {strides = array<i32>} : memref<12x16xf32, #tpu.memory_space<vmem>>, vector<16xf32>,
      %mul3A_77 = arith.mulf %get3A_76, %add3A_68 : vector<16xf32>
      %add3A_78 = arith.addf %get3A_72, %mul3A_77 : vector<16xf32>
      %get3A_79 = arith.constant 8 : i32
      %get3A_80 = arith.index_cast %get3A_79 : i32 to index
      %get3A_81 = arith.constant 0 : index
      %get3A_82 = tpu.vector_load %arg5[%get3A_80, %get3A_81] {strides = array<i32>} : memref<12x16xf32, #tpu.memory_space<vmem>>, vector<16xf32>,
      %gt3A_83 = arith.constant 5.000000e-01 : f32
      %gt3A_84 = vector.broadcast %gt3A_83 : f32 to vector<16xf32>
      %gt3A_85 = arith.cmpf ogt, %get3A_82, %gt3A_84 : vector<16xf32>
      %get3A_86 = arith.constant 9 : i32
      %get3A_87 = arith.index_cast %get3A_86 : i32 to index
      %get3A_88 = arith.constant 0 : index
      %get3A_89 = tpu.vector_load %arg5[%get3A_87, %get3A_88] {strides = array<i32>} : memref<12x16xf32, #tpu.memory_space<vmem>>, vector<16xf32>,
      %gt3A_90 = arith.constant 5.000000e-01 : f32
      %gt3A_91 = vector.broadcast %gt3A_90 : f32 to vector<16xf32>
      %gt3A_92 = arith.cmpf ogt, %get3A_89, %gt3A_91 : vector<16xf32>
      %get3A_93 = arith.constant 10 : i32
      %get3A_94 = arith.index_cast %get3A_93 : i32 to index
      %get3A_95 = arith.constant 0 : index
      %get3A_96 = tpu.vector_load %arg5[%get3A_94, %get3A_95] {strides = array<i32>} : memref<12x16xf32, #tpu.memory_space<vmem>>, vector<16xf32>,
      %reduce_max3A = arith.constant true
      %reduce_max3A_97 = vector.broadcast %reduce_max3A : i1 to vector<16xi1>
      %reduce_max3A_98 = tpu.scan <max>, %get3A_96 masked %reduce_max3A_97 : vector<16xf32>, vector<16xi1> -> vector<16xf32>
      %reduce_max3A_99 = vector.extract %reduce_max3A_98[15] : f32 from vector<16xf32>
      %gt3A_100 = arith.constant 5.000000e-01 : f32
      %gt3A_101 = arith.cmpf ogt, %reduce_max3A_99, %gt3A_100 : f32
      %get3A_102 = arith.constant 11 : i32
      %get3A_103 = arith.index_cast %get3A_102 : i32 to index
      %get3A_104 = arith.constant 0 : index
      %get3A_105 = tpu.vector_load %arg5[%get3A_103, %get3A_104] {strides = array<i32>} : memref<12x16xf32, #tpu.memory_space<vmem>>, vector<16xf32>,
      %reduce_max3A_106 = arith.constant true
      %reduce_max3A_107 = vector.broadcast %reduce_max3A_106 : i1 to vector<16xi1>
      %reduce_max3A_108 = tpu.scan <max>, %get3A_105 masked %reduce_max3A_107 : vector<16xf32>, vector<16xi1> -> vector<16xf32>
      %reduce_max3A_109 = vector.extract %reduce_max3A_108[15] : f32 from vector<16xf32>
      %gt3A_110 = arith.constant 5.000000e-01 : f32
      %gt3A_111 = arith.cmpf ogt, %reduce_max3A_109, %gt3A_110 : f32
      %scan3A_112 = arith.constant 0 : i32
      %scan3A_113 = arith.constant 0 : i32
      %scan3A_114 = arith.constant 3 : i32
      %scan3A_115 = arith.addi %scan3A_113, %scan3A_114 : i32
      %scan3A_116 = arith.constant 1 : i32
      %scan3A_117 = scf.for %scan3A_120 = %scan3A_113 to %scan3A_115 step %scan3A_116 iter_args(%scan3A_121 = %scan3A_112) -> (i32)  : i32 {
        %mul3A_122 = arith.constant 224 : i32
        %mul3A_123 = arith.muli %scan3A_120, %mul3A_122 : i32
        %add3A_124 = arith.addi %mul3A_13, %mul3A_123 : i32
        %dma_start3A = arith.constant 0 : i32
        %dma_start3A_125 = tpu.memref_slice %arg2[%add3A_124, %dma_start3A] : memref<172032x224xf32, #tpu.memory_space<hbm>> -> memref<224x224xf32, #tpu.memory_space<hbm>>
        %dma_start3A_126 = arith.constant 0 : i32
        %dma_start3A_127 = tpu.memref_slice %arg2[%add3A_124, %dma_start3A_126] : memref<172032x224xf32, #tpu.memory_space<hbm>> -> memref<224x224xf32, #tpu.memory_space<hbm>>
        tpu.enqueue_dma source(%dma_start3A_127 : memref<224x224xf32, #tpu.memory_space<hbm>>) target(%arg6 : memref<224x224xf32, #tpu.memory_space<vmem>>) target_semaphore(%arg8 : memref<!tpu.dma_semaphore, #tpu.memory_space<semaphore_mem>>)
        %dma_wait3A = arith.constant 0 : i32
        %dma_wait3A_128 = tpu.memref_slice %arg2[%add3A_124, %dma_wait3A] : memref<172032x224xf32, #tpu.memory_space<hbm>> -> memref<224x224xf32, #tpu.memory_space<hbm>>
        %dma_wait3A_129 = arith.constant 0 : i32
        %dma_wait3A_130 = tpu.memref_slice %arg2[%add3A_124, %dma_wait3A_129] : memref<172032x224xf32, #tpu.memory_space<hbm>> -> memref<224x224xf32, #tpu.memory_space<hbm>>
        tpu.wait_dma2 semaphore(%arg8 : memref<!tpu.dma_semaphore, #tpu.memory_space<semaphore_mem>>) src(%dma_wait3A_130 : memref<224x224xf32, #tpu.memory_space<hbm>>) dst(%arg6 : memref<224x224xf32, #tpu.memory_space<vmem>>)
        %scan3A_131 = arith.constant 0 : i32
        %scan3A_132 = arith.constant 0 : i32
        %scan3A_133 = arith.constant 224 : i32
        %scan3A_134 = arith.addi %scan3A_132, %scan3A_133 : i32
        %scan3A_135 = arith.constant 1 : i32
        %scan3A_136 = scf.for %scan3A_147 = %scan3A_132 to %scan3A_134 step %scan3A_135 iter_args(%scan3A_148 = %scan3A_131) -> (i32)  : i32 {
          %lt3A = arith.constant 120 : i32
          %lt3A_149 = arith.cmpi slt, %scan3A_147, %lt3A : i32
          %and3A = arith.andi %gt3A_111, %lt3A_149 : i1
          %sub3A_150 = arith.constant 223 : i32
          %sub3A_151 = arith.subi %sub3A_150, %scan3A_147 : i32
          %select_n3A = arith.select %and3A, %sub3A_151, %scan3A_147 : i32
          %sub3A_152 = arith.constant 223 : i32
          %sub3A_153 = arith.subi %sub3A_152, %select_n3A : i32
          %select_n3A_154 = arith.select %gt3A_101, %sub3A_153, %select_n3A : i32
          %get3A_155 = arith.index_cast %select_n3A_154 : i32 to index
          %get3A_156 = arith.constant 0 : index
          %get3A_157 = tpu.vector_load %arg6[%get3A_155, %get3A_156] {strides = array<i32>} : memref<224x224xf32, #tpu.memory_space<vmem>>, vector<16xf32>,
          %mul3A_158 = arith.mulf %get3A_34, %get3A_157 : vector<16xf32>
          %add3A_159 = arith.addf %mul3A_158, %add3A_45 : vector<16xf32>
          %ge3A = arith.constant 5.000000e-01 : f32
          %ge3A_160 = vector.broadcast %ge3A : f32 to vector<16xf32>
          %ge3A_161 = arith.cmpf oge, %add3A_159, %ge3A_160 : vector<16xf32>
          %and3A_162 = arith.andi %gt3A_51, %ge3A_161 : vector<16xi1>
          %sub3A_163 = arith.constant 1.000000e+00 : f32
          %sub3A_164 = vector.broadcast %sub3A_163 : f32 to vector<16xf32>
          %sub3A_165 = arith.subf %sub3A_164, %add3A_159 : vector<16xf32>
          %select_n3A_166 = arith.select %and3A_162, %sub3A_165, %add3A_159 : vector<16xi1>, vector<16xf32>
          %mul3A_167 = arith.mulf %get3A_55, %select_n3A_166 : vector<16xf32>
          %add3A_168 = arith.addf %mul3A_167, %add3A_78 : vector<16xf32>
          %ge3A_169 = arith.constant 5.000000e-01 : f32
          %ge3A_170 = vector.broadcast %ge3A_169 : f32 to vector<16xf32>
          %ge3A_171 = arith.cmpf oge, %add3A_168, %ge3A_170 : vector<16xf32>
          %and3A_172 = arith.andi %gt3A_85, %ge3A_171 : vector<16xi1>
          %sub3A_173 = arith.constant 1.000000e+00 : f32
          %sub3A_174 = vector.broadcast %sub3A_173 : f32 to vector<16xf32>
          %sub3A_175 = arith.subf %sub3A_174, %add3A_168 : vector<16xf32>
          %select_n3A_176 = arith.select %and3A_172, %sub3A_175, %add3A_168 : vector<16xi1>, vector<16xf32>
          %get3A_177 = arith.index_cast %select_n3A_154 : i32 to index
          %get3A_178 = arith.constant 208 : index
          %get3A_179 = tpu.vector_load %arg6[%get3A_177, %get3A_178] {strides = array<i32>} : memref<224x224xf32, #tpu.memory_space<vmem>>, vector<16xf32>,
          %mul3A_180 = arith.mulf %get3A_34, %get3A_179 : vector<16xf32>
          %add3A_181 = arith.addf %mul3A_180, %add3A_45 : vector<16xf32>
          %ge3A_182 = arith.constant 5.000000e-01 : f32
          %ge3A_183 = vector.broadcast %ge3A_182 : f32 to vector<16xf32>
          %ge3A_184 = arith.cmpf oge, %add3A_181, %ge3A_183 : vector<16xf32>
          %and3A_185 = arith.andi %gt3A_51, %ge3A_184 : vector<16xi1>
          %sub3A_186 = arith.constant 1.000000e+00 : f32
          %sub3A_187 = vector.broadcast %sub3A_186 : f32 to vector<16xf32>
          %sub3A_188 = arith.subf %sub3A_187, %add3A_181 : vector<16xf32>
          %select_n3A_189 = arith.select %and3A_185, %sub3A_188, %add3A_181 : vector<16xi1>, vector<16xf32>
          %mul3A_190 = arith.mulf %get3A_55, %select_n3A_189 : vector<16xf32>
          %add3A_191 = arith.addf %mul3A_190, %add3A_78 : vector<16xf32>
          %ge3A_192 = arith.constant 5.000000e-01 : f32
          %ge3A_193 = vector.broadcast %ge3A_192 : f32 to vector<16xf32>
          %ge3A_194 = arith.cmpf oge, %add3A_191, %ge3A_193 : vector<16xf32>
          %and3A_195 = arith.andi %gt3A_85, %ge3A_194 : vector<16xi1>
          %sub3A_196 = arith.constant 1.000000e+00 : f32
          %sub3A_197 = vector.broadcast %sub3A_196 : f32 to vector<16xf32>
          %sub3A_198 = arith.subf %sub3A_197, %add3A_191 : vector<16xf32>
          %select_n3A_199 = arith.select %and3A_195, %sub3A_198, %add3A_191 : vector<16xi1>, vector<16xf32>
          %rev3A = arith.constant 15 : i32
          %rev3A_200 = vector.broadcast %rev3A : i32 to vector<16xi32>
          %rev3A_201 = tpu.iota {dimensions = array<i32: 0>} : vector<16xi32>
          %rev3A_202 = arith.subi %rev3A_200, %rev3A_201 : vector<16xi32>
          %rev3A_203 = tpu.dynamic_gather %select_n3A_199[%rev3A_202] in [0] : vector<16xf32>, vector<16xi32> -> vector<16xf32>
          %select_n3A_204 = arith.select %gt3A_92, %rev3A_203, %select_n3A_176 : vector<16xi1>, vector<16xf32>
          %swap3A = arith.index_cast %scan3A_147 : i32 to index
          %swap3A_205 = arith.constant 0 : index
          %swap3A_206 = tpu.vector_load %arg7[%swap3A, %swap3A_205] {strides = array<i32>} : memref<224x224xf32, #tpu.memory_space<vmem>>, vector<16xf32>,
          tpu.vector_store %arg7[%swap3A, %swap3A_205], %select_n3A_204 {strides = array<i32>} : memref<224x224xf32, #tpu.memory_space<vmem>>, vector<16xf32>,
          %rev3A_207 = arith.constant 15 : i32
          %rev3A_208 = vector.broadcast %rev3A_207 : i32 to vector<16xi32>
          %rev3A_209 = tpu.iota {dimensions = array<i32: 0>} : vector<16xi32>
          %rev3A_210 = arith.subi %rev3A_208, %rev3A_209 : vector<16xi32>
          %rev3A_211 = tpu.dynamic_gather %select_n3A_176[%rev3A_210] in [0] : vector<16xf32>, vector<16xi32> -> vector<16xf32>
          %select_n3A_212 = arith.select %gt3A_92, %rev3A_211, %select_n3A_199 : vector<16xi1>, vector<16xf32>
          %swap3A_213 = arith.index_cast %scan3A_147 : i32 to index
          %swap3A_214 = arith.constant 208 : index
          %swap3A_215 = tpu.vector_load %arg7[%swap3A_213, %swap3A_214] {strides = array<i32>} : memref<224x224xf32, #tpu.memory_space<vmem>>, vector<16xf32>,
          tpu.vector_store %arg7[%swap3A_213, %swap3A_214], %select_n3A_212 {strides = array<i32>} : memref<224x224xf32, #tpu.memory_space<vmem>>, vector<16xf32>,
          %get3A_216 = arith.index_cast %select_n3A_154 : i32 to index
          %get3A_217 = arith.constant 16 : index
          %get3A_218 = tpu.vector_load %arg6[%get3A_216, %get3A_217] {strides = array<i32>} : memref<224x224xf32, #tpu.memory_space<vmem>>, vector<16xf32>,
          %mul3A_219 = arith.mulf %get3A_34, %get3A_218 : vector<16xf32>
          %add3A_220 = arith.addf %mul3A_219, %add3A_45 : vector<16xf32>
          %ge3A_221 = arith.constant 5.000000e-01 : f32
          %ge3A_222 = vector.broadcast %ge3A_221 : f32 to vector<16xf32>
          %ge3A_223 = arith.cmpf oge, %add3A_220, %ge3A_222 : vector<16xf32>
          %and3A_224 = arith.andi %gt3A_51, %ge3A_223 : vector<16xi1>
          %sub3A_225 = arith.constant 1.000000e+00 : f32
          %sub3A_226 = vector.broadcast %sub3A_225 : f32 to vector<16xf32>
          %sub3A_227 = arith.subf %sub3A_226, %add3A_220 : vector<16xf32>
          %select_n3A_228 = arith.select %and3A_224, %sub3A_227, %add3A_220 : vector<16xi1>, vector<16xf32>
          %mul3A_229 = arith.mulf %get3A_55, %select_n3A_228 : vector<16xf32>
          %add3A_230 = arith.addf %mul3A_229, %add3A_78 : vector<16xf32>
          %ge3A_231 = arith.constant 5.000000e-01 : f32
          %ge3A_232 = vector.broadcast %ge3A_231 : f32 to vector<16xf32>
          %ge3A_233 = arith.cmpf oge, %add3A_230, %ge3A_232 : vector<16xf32>
          %and3A_234 = arith.andi %gt3A_85, %ge3A_233 : vector<16xi1>
          %sub3A_235 = arith.constant 1.000000e+00 : f32
          %sub3A_236 = vector.broadcast %sub3A_235 : f32 to vector<16xf32>
          %sub3A_237 = arith.subf %sub3A_236, %add3A_230 : vector<16xf32>
          %select_n3A_238 = arith.select %and3A_234, %sub3A_237, %add3A_230 : vector<16xi1>, vector<16xf32>
          %get3A_239 = arith.index_cast %select_n3A_154 : i32 to index
          %get3A_240 = arith.constant 192 : index
          %get3A_241 = tpu.vector_load %arg6[%get3A_239, %get3A_240] {strides = array<i32>} : memref<224x224xf32, #tpu.memory_space<vmem>>, vector<16xf32>,
          %mul3A_242 = arith.mulf %get3A_34, %get3A_241 : vector<16xf32>
          %add3A_243 = arith.addf %mul3A_242, %add3A_45 : vector<16xf32>
          %ge3A_244 = arith.constant 5.000000e-01 : f32
          %ge3A_245 = vector.broadcast %ge3A_244 : f32 to vector<16xf32>
          %ge3A_246 = arith.cmpf oge, %add3A_243, %ge3A_245 : vector<16xf32>
          %and3A_247 = arith.andi %gt3A_51, %ge3A_246 : vector<16xi1>
          %sub3A_248 = arith.constant 1.000000e+00 : f32
          %sub3A_249 = vector.broadcast %sub3A_248 : f32 to vector<16xf32>
          %sub3A_250 = arith.subf %sub3A_249, %add3A_243 : vector<16xf32>
          %select_n3A_251 = arith.select %and3A_247, %sub3A_250, %add3A_243 : vector<16xi1>, vector<16xf32>
          %mul3A_252 = arith.mulf %get3A_55, %select_n3A_251 : vector<16xf32>
          %add3A_253 = arith.addf %mul3A_252, %add3A_78 : vector<16xf32>
          %ge3A_254 = arith.constant 5.000000e-01 : f32
          %ge3A_255 = vector.broadcast %ge3A_254 : f32 to vector<16xf32>
          %ge3A_256 = arith.cmpf oge, %add3A_253, %ge3A_255 : vector<16xf32>
          %and3A_257 = arith.andi %gt3A_85, %ge3A_256 : vector<16xi1>
          %sub3A_258 = arith.constant 1.000000e+00 : f32
          %sub3A_259 = vector.broadcast %sub3A_258 : f32 to vector<16xf32>
          %sub3A_260 = arith.subf %sub3A_259, %add3A_253 : vector<16xf32>
          %select_n3A_261 = arith.select %and3A_257, %sub3A_260, %add3A_253 : vector<16xi1>, vector<16xf32>
          %rev3A_262 = arith.constant 15 : i32
          %rev3A_263 = vector.broadcast %rev3A_262 : i32 to vector<16xi32>
          %rev3A_264 = tpu.iota {dimensions = array<i32: 0>} : vector<16xi32>
          %rev3A_265 = arith.subi %rev3A_263, %rev3A_264 : vector<16xi32>
          %rev3A_266 = tpu.dynamic_gather %select_n3A_261[%rev3A_265] in [0] : vector<16xf32>, vector<16xi32> -> vector<16xf32>
          %select_n3A_267 = arith.select %gt3A_92, %rev3A_266, %select_n3A_238 : vector<16xi1>, vector<16xf32>
          %swap3A_268 = arith.index_cast %scan3A_147 : i32 to index
          %swap3A_269 = arith.constant 16 : index
          %swap3A_270 = tpu.vector_load %arg7[%swap3A_268, %swap3A_269] {strides = array<i32>} : memref<224x224xf32, #tpu.memory_space<vmem>>, vector<16xf32>,
          tpu.vector_store %arg7[%swap3A_268, %swap3A_269], %select_n3A_267 {strides = array<i32>} : memref<224x224xf32, #tpu.memory_space<vmem>>, vector<16xf32>,
          %rev3A_271 = arith.constant 15 : i32
          %rev3A_272 = vector.broadcast %rev3A_271 : i32 to vector<16xi32>
          %rev3A_273 = tpu.iota {dimensions = array<i32: 0>} : vector<16xi32>
          %rev3A_274 = arith.subi %rev3A_272, %rev3A_273 : vector<16xi32>
          %rev3A_275 = tpu.dynamic_gather %select_n3A_238[%rev3A_274] in [0] : vector<16xf32>, vector<16xi32> -> vector<16xf32>
          %select_n3A_276 = arith.select %gt3A_92, %rev3A_275, %select_n3A_261 : vector<16xi1>, vector<16xf32>
          %swap3A_277 = arith.index_cast %scan3A_147 : i32 to index
          %swap3A_278 = arith.constant 192 : index
          %swap3A_279 = tpu.vector_load %arg7[%swap3A_277, %swap3A_278] {strides = array<i32>} : memref<224x224xf32, #tpu.memory_space<vmem>>, vector<16xf32>,
          tpu.vector_store %arg7[%swap3A_277, %swap3A_278], %select_n3A_276 {strides = array<i32>} : memref<224x224xf32, #tpu.memory_space<vmem>>, vector<16xf32>,
          %get3A_280 = arith.index_cast %select_n3A_154 : i32 to index
          %get3A_281 = arith.constant 32 : index
          %get3A_282 = tpu.vector_load %arg6[%get3A_280, %get3A_281] {strides = array<i32>} : memref<224x224xf32, #tpu.memory_space<vmem>>, vector<16xf32>,
          %mul3A_283 = arith.mulf %get3A_34, %get3A_282 : vector<16xf32>
          %add3A_284 = arith.addf %mul3A_283, %add3A_45 : vector<16xf32>
          %ge3A_285 = arith.constant 5.000000e-01 : f32
          %ge3A_286 = vector.broadcast %ge3A_285 : f32 to vector<16xf32>
          %ge3A_287 = arith.cmpf oge, %add3A_284, %ge3A_286 : vector<16xf32>
          %and3A_288 = arith.andi %gt3A_51, %ge3A_287 : vector<16xi1>
          %sub3A_289 = arith.constant 1.000000e+00 : f32
          %sub3A_290 = vector.broadcast %sub3A_289 : f32 to vector<16xf32>
          %sub3A_291 = arith.subf %sub3A_290, %add3A_284 : vector<16xf32>
          %select_n3A_292 = arith.select %and3A_288, %sub3A_291, %add3A_284 : vector<16xi1>, vector<16xf32>
          %mul3A_293 = arith.mulf %get3A_55, %select_n3A_292 : vector<16xf32>
          %add3A_294 = arith.addf %mul3A_293, %add3A_78 : vector<16xf32>
          %ge3A_295 = arith.constant 5.000000e-01 : f32
          %ge3A_296 = vector.broadcast %ge3A_295 : f32 to vector<16xf32>
          %ge3A_297 = arith.cmpf oge, %add3A_294, %ge3A_296 : vector<16xf32>
          %and3A_298 = arith.andi %gt3A_85, %ge3A_297 : vector<16xi1>
          %sub3A_299 = arith.constant 1.000000e+00 : f32
          %sub3A_300 = vector.broadcast %sub3A_299 : f32 to vector<16xf32>
          %sub3A_301 = arith.subf %sub3A_300, %add3A_294 : vector<16xf32>
          %select_n3A_302 = arith.select %and3A_298, %sub3A_301, %add3A_294 : vector<16xi1>, vector<16xf32>
          %get3A_303 = arith.index_cast %select_n3A_154 : i32 to index
          %get3A_304 = arith.constant 176 : index
          %get3A_305 = tpu.vector_load %arg6[%get3A_303, %get3A_304] {strides = array<i32>} : memref<224x224xf32, #tpu.memory_space<vmem>>, vector<16xf32>,
          %mul3A_306 = arith.mulf %get3A_34, %get3A_305 : vector<16xf32>
          %add3A_307 = arith.addf %mul3A_306, %add3A_45 : vector<16xf32>
          %ge3A_308 = arith.constant 5.000000e-01 : f32
          %ge3A_309 = vector.broadcast %ge3A_308 : f32 to vector<16xf32>
          %ge3A_310 = arith.cmpf oge, %add3A_307, %ge3A_309 : vector<16xf32>
          %and3A_311 = arith.andi %gt3A_51, %ge3A_310 : vector<16xi1>
          %sub3A_312 = arith.constant 1.000000e+00 : f32
          %sub3A_313 = vector.broadcast %sub3A_312 : f32 to vector<16xf32>
          %sub3A_314 = arith.subf %sub3A_313, %add3A_307 : vector<16xf32>
          %select_n3A_315 = arith.select %and3A_311, %sub3A_314, %add3A_307 : vector<16xi1>, vector<16xf32>
          %mul3A_316 = arith.mulf %get3A_55, %select_n3A_315 : vector<16xf32>
          %add3A_317 = arith.addf %mul3A_316, %add3A_78 : vector<16xf32>
          %ge3A_318 = arith.constant 5.000000e-01 : f32
          %ge3A_319 = vector.broadcast %ge3A_318 : f32 to vector<16xf32>
          %ge3A_320 = arith.cmpf oge, %add3A_317, %ge3A_319 : vector<16xf32>
          %and3A_321 = arith.andi %gt3A_85, %ge3A_320 : vector<16xi1>
          %sub3A_322 = arith.constant 1.000000e+00 : f32
          %sub3A_323 = vector.broadcast %sub3A_322 : f32 to vector<16xf32>
          %sub3A_324 = arith.subf %sub3A_323, %add3A_317 : vector<16xf32>
          %select_n3A_325 = arith.select %and3A_321, %sub3A_324, %add3A_317 : vector<16xi1>, vector<16xf32>
          %rev3A_326 = arith.constant 15 : i32
          %rev3A_327 = vector.broadcast %rev3A_326 : i32 to vector<16xi32>
          %rev3A_328 = tpu.iota {dimensions = array<i32: 0>} : vector<16xi32>
          %rev3A_329 = arith.subi %rev3A_327, %rev3A_328 : vector<16xi32>
          %rev3A_330 = tpu.dynamic_gather %select_n3A_325[%rev3A_329] in [0] : vector<16xf32>, vector<16xi32> -> vector<16xf32>
          %select_n3A_331 = arith.select %gt3A_92, %rev3A_330, %select_n3A_302 : vector<16xi1>, vector<16xf32>
          %swap3A_332 = arith.index_cast %scan3A_147 : i32 to index
          %swap3A_333 = arith.constant 32 : index
          %swap3A_334 = tpu.vector_load %arg7[%swap3A_332, %swap3A_333] {strides = array<i32>} : memref<224x224xf32, #tpu.memory_space<vmem>>, vector<16xf32>,
          tpu.vector_store %arg7[%swap3A_332, %swap3A_333], %select_n3A_331 {strides = array<i32>} : memref<224x224xf32, #tpu.memory_space<vmem>>, vector<16xf32>,
          %rev3A_335 = arith.constant 15 : i32
          %rev3A_336 = vector.broadcast %rev3A_335 : i32 to vector<16xi32>
          %rev3A_337 = tpu.iota {dimensions = array<i32: 0>} : vector<16xi32>
          %rev3A_338 = arith.subi %rev3A_336, %rev3A_337 : vector<16xi32>
          %rev3A_339 = tpu.dynamic_gather %select_n3A_302[%rev3A_338] in [0] : vector<16xf32>, vector<16xi32> -> vector<16xf32>
          %select_n3A_340 = arith.select %gt3A_92, %rev3A_339, %select_n3A_325 : vector<16xi1>, vector<16xf32>
          %swap3A_341 = arith.index_cast %scan3A_147 : i32 to index
          %swap3A_342 = arith.constant 176 : index
          %swap3A_343 = tpu.vector_load %arg7[%swap3A_341, %swap3A_342] {strides = array<i32>} : memref<224x224xf32, #tpu.memory_space<vmem>>, vector<16xf32>,
          tpu.vector_store %arg7[%swap3A_341, %swap3A_342], %select_n3A_340 {strides = array<i32>} : memref<224x224xf32, #tpu.memory_space<vmem>>, vector<16xf32>,
          %get3A_344 = arith.index_cast %select_n3A_154 : i32 to index
          %get3A_345 = arith.constant 48 : index
          %get3A_346 = tpu.vector_load %arg6[%get3A_344, %get3A_345] {strides = array<i32>} : memref<224x224xf32, #tpu.memory_space<vmem>>, vector<16xf32>,
          %mul3A_347 = arith.mulf %get3A_34, %get3A_346 : vector<16xf32>
          %add3A_348 = arith.addf %mul3A_347, %add3A_45 : vector<16xf32>
          %ge3A_349 = arith.constant 5.000000e-01 : f32
          %ge3A_350 = vector.broadcast %ge3A_349 : f32 to vector<16xf32>
          %ge3A_351 = arith.cmpf oge, %add3A_348, %ge3A_350 : vector<16xf32>
          %and3A_352 = arith.andi %gt3A_51, %ge3A_351 : vector<16xi1>
          %sub3A_353 = arith.constant 1.000000e+00 : f32
          %sub3A_354 = vector.broadcast %sub3A_353 : f32 to vector<16xf32>
          %sub3A_355 = arith.subf %sub3A_354, %add3A_348 : vector<16xf32>
          %select_n3A_356 = arith.select %and3A_352, %sub3A_355, %add3A_348 : vector<16xi1>, vector<16xf32>
          %mul3A_357 = arith.mulf %get3A_55, %select_n3A_356 : vector<16xf32>
          %add3A_358 = arith.addf %mul3A_357, %add3A_78 : vector<16xf32>
          %ge3A_359 = arith.constant 5.000000e-01 : f32
          %ge3A_360 = vector.broadcast %ge3A_359 : f32 to vector<16xf32>
          %ge3A_361 = arith.cmpf oge, %add3A_358, %ge3A_360 : vector<16xf32>
          %and3A_362 = arith.andi %gt3A_85, %ge3A_361 : vector<16xi1>
          %sub3A_363 = arith.constant 1.000000e+00 : f32
          %sub3A_364 = vector.broadcast %sub3A_363 : f32 to vector<16xf32>
          %sub3A_365 = arith.subf %sub3A_364, %add3A_358 : vector<16xf32>
          %select_n3A_366 = arith.select %and3A_362, %sub3A_365, %add3A_358 : vector<16xi1>, vector<16xf32>
          %get3A_367 = arith.index_cast %select_n3A_154 : i32 to index
          %get3A_368 = arith.constant 160 : index
          %get3A_369 = tpu.vector_load %arg6[%get3A_367, %get3A_368] {strides = array<i32>} : memref<224x224xf32, #tpu.memory_space<vmem>>, vector<16xf32>,
          %mul3A_370 = arith.mulf %get3A_34, %get3A_369 : vector<16xf32>
          %add3A_371 = arith.addf %mul3A_370, %add3A_45 : vector<16xf32>
          %ge3A_372 = arith.constant 5.000000e-01 : f32
          %ge3A_373 = vector.broadcast %ge3A_372 : f32 to vector<16xf32>
          %ge3A_374 = arith.cmpf oge, %add3A_371, %ge3A_373 : vector<16xf32>
          %and3A_375 = arith.andi %gt3A_51, %ge3A_374 : vector<16xi1>
          %sub3A_376 = arith.constant 1.000000e+00 : f32
          %sub3A_377 = vector.broadcast %sub3A_376 : f32 to vector<16xf32>
          %sub3A_378 = arith.subf %sub3A_377, %add3A_371 : vector<16xf32>
          %select_n3A_379 = arith.select %and3A_375, %sub3A_378, %add3A_371 : vector<16xi1>, vector<16xf32>
          %mul3A_380 = arith.mulf %get3A_55, %select_n3A_379 : vector<16xf32>
          %add3A_381 = arith.addf %mul3A_380, %add3A_78 : vector<16xf32>
          %ge3A_382 = arith.constant 5.000000e-01 : f32
          %ge3A_383 = vector.broadcast %ge3A_382 : f32 to vector<16xf32>
          %ge3A_384 = arith.cmpf oge, %add3A_381, %ge3A_383 : vector<16xf32>
          %and3A_385 = arith.andi %gt3A_85, %ge3A_384 : vector<16xi1>
          %sub3A_386 = arith.constant 1.000000e+00 : f32
          %sub3A_387 = vector.broadcast %sub3A_386 : f32 to vector<16xf32>
          %sub3A_388 = arith.subf %sub3A_387, %add3A_381 : vector<16xf32>
          %select_n3A_389 = arith.select %and3A_385, %sub3A_388, %add3A_381 : vector<16xi1>, vector<16xf32>
          %rev3A_390 = arith.constant 15 : i32
          %rev3A_391 = vector.broadcast %rev3A_390 : i32 to vector<16xi32>
          %rev3A_392 = tpu.iota {dimensions = array<i32: 0>} : vector<16xi32>
          %rev3A_393 = arith.subi %rev3A_391, %rev3A_392 : vector<16xi32>
          %rev3A_394 = tpu.dynamic_gather %select_n3A_389[%rev3A_393] in [0] : vector<16xf32>, vector<16xi32> -> vector<16xf32>
          %select_n3A_395 = arith.select %gt3A_92, %rev3A_394, %select_n3A_366 : vector<16xi1>, vector<16xf32>
          %swap3A_396 = arith.index_cast %scan3A_147 : i32 to index
          %swap3A_397 = arith.constant 48 : index
          %swap3A_398 = tpu.vector_load %arg7[%swap3A_396, %swap3A_397] {strides = array<i32>} : memref<224x224xf32, #tpu.memory_space<vmem>>, vector<16xf32>,
          tpu.vector_store %arg7[%swap3A_396, %swap3A_397], %select_n3A_395 {strides = array<i32>} : memref<224x224xf32, #tpu.memory_space<vmem>>, vector<16xf32>,
          %rev3A_399 = arith.constant 15 : i32
          %rev3A_400 = vector.broadcast %rev3A_399 : i32 to vector<16xi32>
          %rev3A_401 = tpu.iota {dimensions = array<i32: 0>} : vector<16xi32>
          %rev3A_402 = arith.subi %rev3A_400, %rev3A_401 : vector<16xi32>
          %rev3A_403 = tpu.dynamic_gather %select_n3A_366[%rev3A_402] in [0] : vector<16xf32>, vector<16xi32> -> vector<16xf32>
          %select_n3A_404 = arith.select %gt3A_92, %rev3A_403, %select_n3A_389 : vector<16xi1>, vector<16xf32>
          %swap3A_405 = arith.index_cast %scan3A_147 : i32 to index
          %swap3A_406 = arith.constant 160 : index
          %swap3A_407 = tpu.vector_load %arg7[%swap3A_405, %swap3A_406] {strides = array<i32>} : memref<224x224xf32, #tpu.memory_space<vmem>>, vector<16xf32>,
          tpu.vector_store %arg7[%swap3A_405, %swap3A_406], %select_n3A_404 {strides = array<i32>} : memref<224x224xf32, #tpu.memory_space<vmem>>, vector<16xf32>,
          %get3A_408 = arith.index_cast %select_n3A_154 : i32 to index
          %get3A_409 = arith.constant 64 : index
          %get3A_410 = tpu.vector_load %arg6[%get3A_408, %get3A_409] {strides = array<i32>} : memref<224x224xf32, #tpu.memory_space<vmem>>, vector<16xf32>,
          %mul3A_411 = arith.mulf %get3A_34, %get3A_410 : vector<16xf32>
          %add3A_412 = arith.addf %mul3A_411, %add3A_45 : vector<16xf32>
          %ge3A_413 = arith.constant 5.000000e-01 : f32
          %ge3A_414 = vector.broadcast %ge3A_413 : f32 to vector<16xf32>
          %ge3A_415 = arith.cmpf oge, %add3A_412, %ge3A_414 : vector<16xf32>
          %and3A_416 = arith.andi %gt3A_51, %ge3A_415 : vector<16xi1>
          %sub3A_417 = arith.constant 1.000000e+00 : f32
          %sub3A_418 = vector.broadcast %sub3A_417 : f32 to vector<16xf32>
          %sub3A_419 = arith.subf %sub3A_418, %add3A_412 : vector<16xf32>
          %select_n3A_420 = arith.select %and3A_416, %sub3A_419, %add3A_412 : vector<16xi1>, vector<16xf32>
          %mul3A_421 = arith.mulf %get3A_55, %select_n3A_420 : vector<16xf32>
          %add3A_422 = arith.addf %mul3A_421, %add3A_78 : vector<16xf32>
          %ge3A_423 = arith.constant 5.000000e-01 : f32
          %ge3A_424 = vector.broadcast %ge3A_423 : f32 to vector<16xf32>
          %ge3A_425 = arith.cmpf oge, %add3A_422, %ge3A_424 : vector<16xf32>
          %and3A_426 = arith.andi %gt3A_85, %ge3A_425 : vector<16xi1>
          %sub3A_427 = arith.constant 1.000000e+00 : f32
          %sub3A_428 = vector.broadcast %sub3A_427 : f32 to vector<16xf32>
          %sub3A_429 = arith.subf %sub3A_428, %add3A_422 : vector<16xf32>
          %select_n3A_430 = arith.select %and3A_426, %sub3A_429, %add3A_422 : vector<16xi1>, vector<16xf32>
          %get3A_431 = arith.index_cast %select_n3A_154 : i32 to index
          %get3A_432 = arith.constant 144 : index
          %get3A_433 = tpu.vector_load %arg6[%get3A_431, %get3A_432] {strides = array<i32>} : memref<224x224xf32, #tpu.memory_space<vmem>>, vector<16xf32>,
          %mul3A_434 = arith.mulf %get3A_34, %get3A_433 : vector<16xf32>
          %add3A_435 = arith.addf %mul3A_434, %add3A_45 : vector<16xf32>
          %ge3A_436 = arith.constant 5.000000e-01 : f32
          %ge3A_437 = vector.broadcast %ge3A_436 : f32 to vector<16xf32>
          %ge3A_438 = arith.cmpf oge, %add3A_435, %ge3A_437 : vector<16xf32>
          %and3A_439 = arith.andi %gt3A_51, %ge3A_438 : vector<16xi1>
          %sub3A_440 = arith.constant 1.000000e+00 : f32
          %sub3A_441 = vector.broadcast %sub3A_440 : f32 to vector<16xf32>
          %sub3A_442 = arith.subf %sub3A_441, %add3A_435 : vector<16xf32>
          %select_n3A_443 = arith.select %and3A_439, %sub3A_442, %add3A_435 : vector<16xi1>, vector<16xf32>
          %mul3A_444 = arith.mulf %get3A_55, %select_n3A_443 : vector<16xf32>
          %add3A_445 = arith.addf %mul3A_444, %add3A_78 : vector<16xf32>
          %ge3A_446 = arith.constant 5.000000e-01 : f32
          %ge3A_447 = vector.broadcast %ge3A_446 : f32 to vector<16xf32>
          %ge3A_448 = arith.cmpf oge, %add3A_445, %ge3A_447 : vector<16xf32>
          %and3A_449 = arith.andi %gt3A_85, %ge3A_448 : vector<16xi1>
          %sub3A_450 = arith.constant 1.000000e+00 : f32
          %sub3A_451 = vector.broadcast %sub3A_450 : f32 to vector<16xf32>
          %sub3A_452 = arith.subf %sub3A_451, %add3A_445 : vector<16xf32>
          %select_n3A_453 = arith.select %and3A_449, %sub3A_452, %add3A_445 : vector<16xi1>, vector<16xf32>
          %rev3A_454 = arith.constant 15 : i32
          %rev3A_455 = vector.broadcast %rev3A_454 : i32 to vector<16xi32>
          %rev3A_456 = tpu.iota {dimensions = array<i32: 0>} : vector<16xi32>
          %rev3A_457 = arith.subi %rev3A_455, %rev3A_456 : vector<16xi32>
          %rev3A_458 = tpu.dynamic_gather %select_n3A_453[%rev3A_457] in [0] : vector<16xf32>, vector<16xi32> -> vector<16xf32>
          %select_n3A_459 = arith.select %gt3A_92, %rev3A_458, %select_n3A_430 : vector<16xi1>, vector<16xf32>
          %swap3A_460 = arith.index_cast %scan3A_147 : i32 to index
          %swap3A_461 = arith.constant 64 : index
          %swap3A_462 = tpu.vector_load %arg7[%swap3A_460, %swap3A_461] {strides = array<i32>} : memref<224x224xf32, #tpu.memory_space<vmem>>, vector<16xf32>,
          tpu.vector_store %arg7[%swap3A_460, %swap3A_461], %select_n3A_459 {strides = array<i32>} : memref<224x224xf32, #tpu.memory_space<vmem>>, vector<16xf32>,
          %rev3A_463 = arith.constant 15 : i32
          %rev3A_464 = vector.broadcast %rev3A_463 : i32 to vector<16xi32>
          %rev3A_465 = tpu.iota {dimensions = array<i32: 0>} : vector<16xi32>
          %rev3A_466 = arith.subi %rev3A_464, %rev3A_465 : vector<16xi32>
          %rev3A_467 = tpu.dynamic_gather %select_n3A_430[%rev3A_466] in [0] : vector<16xf32>, vector<16xi32> -> vector<16xf32>
          %select_n3A_468 = arith.select %gt3A_92, %rev3A_467, %select_n3A_453 : vector<16xi1>, vector<16xf32>
          %swap3A_469 = arith.index_cast %scan3A_147 : i32 to index
          %swap3A_470 = arith.constant 144 : index
          %swap3A_471 = tpu.vector_load %arg7[%swap3A_469, %swap3A_470] {strides = array<i32>} : memref<224x224xf32, #tpu.memory_space<vmem>>, vector<16xf32>,
          tpu.vector_store %arg7[%swap3A_469, %swap3A_470], %select_n3A_468 {strides = array<i32>} : memref<224x224xf32, #tpu.memory_space<vmem>>, vector<16xf32>,
          %get3A_472 = arith.index_cast %select_n3A_154 : i32 to index
          %get3A_473 = arith.constant 80 : index
          %get3A_474 = tpu.vector_load %arg6[%get3A_472, %get3A_473] {strides = array<i32>} : memref<224x224xf32, #tpu.memory_space<vmem>>, vector<16xf32>,
          %mul3A_475 = arith.mulf %get3A_34, %get3A_474 : vector<16xf32>
          %add3A_476 = arith.addf %mul3A_475, %add3A_45 : vector<16xf32>
          %ge3A_477 = arith.constant 5.000000e-01 : f32
          %ge3A_478 = vector.broadcast %ge3A_477 : f32 to vector<16xf32>
          %ge3A_479 = arith.cmpf oge, %add3A_476, %ge3A_478 : vector<16xf32>
          %and3A_480 = arith.andi %gt3A_51, %ge3A_479 : vector<16xi1>
          %sub3A_481 = arith.constant 1.000000e+00 : f32
          %sub3A_482 = vector.broadcast %sub3A_481 : f32 to vector<16xf32>
          %sub3A_483 = arith.subf %sub3A_482, %add3A_476 : vector<16xf32>
          %select_n3A_484 = arith.select %and3A_480, %sub3A_483, %add3A_476 : vector<16xi1>, vector<16xf32>
          %mul3A_485 = arith.mulf %get3A_55, %select_n3A_484 : vector<16xf32>
          %add3A_486 = arith.addf %mul3A_485, %add3A_78 : vector<16xf32>
          %ge3A_487 = arith.constant 5.000000e-01 : f32
          %ge3A_488 = vector.broadcast %ge3A_487 : f32 to vector<16xf32>
          %ge3A_489 = arith.cmpf oge, %add3A_486, %ge3A_488 : vector<16xf32>
          %and3A_490 = arith.andi %gt3A_85, %ge3A_489 : vector<16xi1>
          %sub3A_491 = arith.constant 1.000000e+00 : f32
          %sub3A_492 = vector.broadcast %sub3A_491 : f32 to vector<16xf32>
          %sub3A_493 = arith.subf %sub3A_492, %add3A_486 : vector<16xf32>
          %select_n3A_494 = arith.select %and3A_490, %sub3A_493, %add3A_486 : vector<16xi1>, vector<16xf32>
          %get3A_495 = arith.index_cast %select_n3A_154 : i32 to index
          %get3A_496 = arith.constant 128 : index
          %get3A_497 = tpu.vector_load %arg6[%get3A_495, %get3A_496] {strides = array<i32>} : memref<224x224xf32, #tpu.memory_space<vmem>>, vector<16xf32>,
          %mul3A_498 = arith.mulf %get3A_34, %get3A_497 : vector<16xf32>
          %add3A_499 = arith.addf %mul3A_498, %add3A_45 : vector<16xf32>
          %ge3A_500 = arith.constant 5.000000e-01 : f32
          %ge3A_501 = vector.broadcast %ge3A_500 : f32 to vector<16xf32>
          %ge3A_502 = arith.cmpf oge, %add3A_499, %ge3A_501 : vector<16xf32>
          %and3A_503 = arith.andi %gt3A_51, %ge3A_502 : vector<16xi1>
          %sub3A_504 = arith.constant 1.000000e+00 : f32
          %sub3A_505 = vector.broadcast %sub3A_504 : f32 to vector<16xf32>
          %sub3A_506 = arith.subf %sub3A_505, %add3A_499 : vector<16xf32>
          %select_n3A_507 = arith.select %and3A_503, %sub3A_506, %add3A_499 : vector<16xi1>, vector<16xf32>
          %mul3A_508 = arith.mulf %get3A_55, %select_n3A_507 : vector<16xf32>
          %add3A_509 = arith.addf %mul3A_508, %add3A_78 : vector<16xf32>
          %ge3A_510 = arith.constant 5.000000e-01 : f32
          %ge3A_511 = vector.broadcast %ge3A_510 : f32 to vector<16xf32>
          %ge3A_512 = arith.cmpf oge, %add3A_509, %ge3A_511 : vector<16xf32>
          %and3A_513 = arith.andi %gt3A_85, %ge3A_512 : vector<16xi1>
          %sub3A_514 = arith.constant 1.000000e+00 : f32
          %sub3A_515 = vector.broadcast %sub3A_514 : f32 to vector<16xf32>
          %sub3A_516 = arith.subf %sub3A_515, %add3A_509 : vector<16xf32>
          %select_n3A_517 = arith.select %and3A_513, %sub3A_516, %add3A_509 : vector<16xi1>, vector<16xf32>
          %rev3A_518 = arith.constant 15 : i32
          %rev3A_519 = vector.broadcast %rev3A_518 : i32 to vector<16xi32>
          %rev3A_520 = tpu.iota {dimensions = array<i32: 0>} : vector<16xi32>
          %rev3A_521 = arith.subi %rev3A_519, %rev3A_520 : vector<16xi32>
          %rev3A_522 = tpu.dynamic_gather %select_n3A_517[%rev3A_521] in [0] : vector<16xf32>, vector<16xi32> -> vector<16xf32>
          %select_n3A_523 = arith.select %gt3A_92, %rev3A_522, %select_n3A_494 : vector<16xi1>, vector<16xf32>
          %swap3A_524 = arith.index_cast %scan3A_147 : i32 to index
          %swap3A_525 = arith.constant 80 : index
          %swap3A_526 = tpu.vector_load %arg7[%swap3A_524, %swap3A_525] {strides = array<i32>} : memref<224x224xf32, #tpu.memory_space<vmem>>, vector<16xf32>,
          tpu.vector_store %arg7[%swap3A_524, %swap3A_525], %select_n3A_523 {strides = array<i32>} : memref<224x224xf32, #tpu.memory_space<vmem>>, vector<16xf32>,
          %rev3A_527 = arith.constant 15 : i32
          %rev3A_528 = vector.broadcast %rev3A_527 : i32 to vector<16xi32>
          %rev3A_529 = tpu.iota {dimensions = array<i32: 0>} : vector<16xi32>
          %rev3A_530 = arith.subi %rev3A_528, %rev3A_529 : vector<16xi32>
          %rev3A_531 = tpu.dynamic_gather %select_n3A_494[%rev3A_530] in [0] : vector<16xf32>, vector<16xi32> -> vector<16xf32>
          %select_n3A_532 = arith.select %gt3A_92, %rev3A_531, %select_n3A_517 : vector<16xi1>, vector<16xf32>
          %swap3A_533 = arith.index_cast %scan3A_147 : i32 to index
          %swap3A_534 = arith.constant 128 : index
          %swap3A_535 = tpu.vector_load %arg7[%swap3A_533, %swap3A_534] {strides = array<i32>} : memref<224x224xf32, #tpu.memory_space<vmem>>, vector<16xf32>,
          tpu.vector_store %arg7[%swap3A_533, %swap3A_534], %select_n3A_532 {strides = array<i32>} : memref<224x224xf32, #tpu.memory_space<vmem>>, vector<16xf32>,
          %get3A_536 = arith.index_cast %select_n3A_154 : i32 to index
          %get3A_537 = arith.constant 96 : index
          %get3A_538 = tpu.vector_load %arg6[%get3A_536, %get3A_537] {strides = array<i32>} : memref<224x224xf32, #tpu.memory_space<vmem>>, vector<16xf32>,
          %mul3A_539 = arith.mulf %get3A_34, %get3A_538 : vector<16xf32>
          %add3A_540 = arith.addf %mul3A_539, %add3A_45 : vector<16xf32>
          %ge3A_541 = arith.constant 5.000000e-01 : f32
          %ge3A_542 = vector.broadcast %ge3A_541 : f32 to vector<16xf32>
          %ge3A_543 = arith.cmpf oge, %add3A_540, %ge3A_542 : vector<16xf32>
          %and3A_544 = arith.andi %gt3A_51, %ge3A_543 : vector<16xi1>
          %sub3A_545 = arith.constant 1.000000e+00 : f32
          %sub3A_546 = vector.broadcast %sub3A_545 : f32 to vector<16xf32>
          %sub3A_547 = arith.subf %sub3A_546, %add3A_540 : vector<16xf32>
          %select_n3A_548 = arith.select %and3A_544, %sub3A_547, %add3A_540 : vector<16xi1>, vector<16xf32>
          %mul3A_549 = arith.mulf %get3A_55, %select_n3A_548 : vector<16xf32>
          %add3A_550 = arith.addf %mul3A_549, %add3A_78 : vector<16xf32>
          %ge3A_551 = arith.constant 5.000000e-01 : f32
          %ge3A_552 = vector.broadcast %ge3A_551 : f32 to vector<16xf32>
          %ge3A_553 = arith.cmpf oge, %add3A_550, %ge3A_552 : vector<16xf32>
          %and3A_554 = arith.andi %gt3A_85, %ge3A_553 : vector<16xi1>
          %sub3A_555 = arith.constant 1.000000e+00 : f32
          %sub3A_556 = vector.broadcast %sub3A_555 : f32 to vector<16xf32>
          %sub3A_557 = arith.subf %sub3A_556, %add3A_550 : vector<16xf32>
          %select_n3A_558 = arith.select %and3A_554, %sub3A_557, %add3A_550 : vector<16xi1>, vector<16xf32>
          %get3A_559 = arith.index_cast %select_n3A_154 : i32 to index
          %get3A_560 = arith.constant 112 : index
          %get3A_561 = tpu.vector_load %arg6[%get3A_559, %get3A_560] {strides = array<i32>} : memref<224x224xf32, #tpu.memory_space<vmem>>, vector<16xf32>,
          %mul3A_562 = arith.mulf %get3A_34, %get3A_561 : vector<16xf32>
          %add3A_563 = arith.addf %mul3A_562, %add3A_45 : vector<16xf32>
          %ge3A_564 = arith.constant 5.000000e-01 : f32
          %ge3A_565 = vector.broadcast %ge3A_564 : f32 to vector<16xf32>
          %ge3A_566 = arith.cmpf oge, %add3A_563, %ge3A_565 : vector<16xf32>
          %and3A_567 = arith.andi %gt3A_51, %ge3A_566 : vector<16xi1>
          %sub3A_568 = arith.constant 1.000000e+00 : f32
          %sub3A_569 = vector.broadcast %sub3A_568 : f32 to vector<16xf32>
          %sub3A_570 = arith.subf %sub3A_569, %add3A_563 : vector<16xf32>
          %select_n3A_571 = arith.select %and3A_567, %sub3A_570, %add3A_563 : vector<16xi1>, vector<16xf32>
          %mul3A_572 = arith.mulf %get3A_55, %select_n3A_571 : vector<16xf32>
          %add3A_573 = arith.addf %mul3A_572, %add3A_78 : vector<16xf32>
          %ge3A_574 = arith.constant 5.000000e-01 : f32
          %ge3A_575 = vector.broadcast %ge3A_574 : f32 to vector<16xf32>
          %ge3A_576 = arith.cmpf oge, %add3A_573, %ge3A_575 : vector<16xf32>
          %and3A_577 = arith.andi %gt3A_85, %ge3A_576 : vector<16xi1>
          %sub3A_578 = arith.constant 1.000000e+00 : f32
          %sub3A_579 = vector.broadcast %sub3A_578 : f32 to vector<16xf32>
          %sub3A_580 = arith.subf %sub3A_579, %add3A_573 : vector<16xf32>
          %select_n3A_581 = arith.select %and3A_577, %sub3A_580, %add3A_573 : vector<16xi1>, vector<16xf32>
          %rev3A_582 = arith.constant 15 : i32
          %rev3A_583 = vector.broadcast %rev3A_582 : i32 to vector<16xi32>
          %rev3A_584 = tpu.iota {dimensions = array<i32: 0>} : vector<16xi32>
          %rev3A_585 = arith.subi %rev3A_583, %rev3A_584 : vector<16xi32>
          %rev3A_586 = tpu.dynamic_gather %select_n3A_581[%rev3A_585] in [0] : vector<16xf32>, vector<16xi32> -> vector<16xf32>
          %select_n3A_587 = arith.select %gt3A_92, %rev3A_586, %select_n3A_558 : vector<16xi1>, vector<16xf32>
          %swap3A_588 = arith.index_cast %scan3A_147 : i32 to index
          %swap3A_589 = arith.constant 96 : index
          %swap3A_590 = tpu.vector_load %arg7[%swap3A_588, %swap3A_589] {strides = array<i32>} : memref<224x224xf32, #tpu.memory_space<vmem>>, vector<16xf32>,
          tpu.vector_store %arg7[%swap3A_588, %swap3A_589], %select_n3A_587 {strides = array<i32>} : memref<224x224xf32, #tpu.memory_space<vmem>>, vector<16xf32>,
          %rev3A_591 = arith.constant 15 : i32
          %rev3A_592 = vector.broadcast %rev3A_591 : i32 to vector<16xi32>
          %rev3A_593 = tpu.iota {dimensions = array<i32: 0>} : vector<16xi32>
          %rev3A_594 = arith.subi %rev3A_592, %rev3A_593 : vector<16xi32>
          %rev3A_595 = tpu.dynamic_gather %select_n3A_558[%rev3A_594] in [0] : vector<16xf32>, vector<16xi32> -> vector<16xf32>
          %select_n3A_596 = arith.select %gt3A_92, %rev3A_595, %select_n3A_581 : vector<16xi1>, vector<16xf32>
          %swap3A_597 = arith.index_cast %scan3A_147 : i32 to index
          %swap3A_598 = arith.constant 112 : index
          %swap3A_599 = tpu.vector_load %arg7[%swap3A_597, %swap3A_598] {strides = array<i32>} : memref<224x224xf32, #tpu.memory_space<vmem>>, vector<16xf32>,
          tpu.vector_store %arg7[%swap3A_597, %swap3A_598], %select_n3A_596 {strides = array<i32>} : memref<224x224xf32, #tpu.memory_space<vmem>>, vector<16xf32>,
          %scan3A_600 = arith.constant 0 : i32
          scf.yield %scan3A_600 : i32
        }
        %scan3A_137 = arith.constant 224 : i32
        %dma_start3A_138 = arith.constant 0 : i32
        %dma_start3A_139 = tpu.memref_slice %arg4[%add3A_124, %dma_start3A_138] : memref<172032x224xf32, #tpu.memory_space<hbm>> -> memref<224x224xf32, #tpu.memory_space<hbm>>
        %dma_start3A_140 = arith.constant 0 : i32
        %dma_start3A_141 = tpu.memref_slice %arg4[%add3A_124, %dma_start3A_140] : memref<172032x224xf32, #tpu.memory_space<hbm>> -> memref<224x224xf32, #tpu.memory_space<hbm>>
        tpu.enqueue_dma source(%arg7 : memref<224x224xf32, #tpu.memory_space<vmem>>) target(%dma_start3A_141 : memref<224x224xf32, #tpu.memory_space<hbm>>) target_semaphore(%arg9 : memref<!tpu.dma_semaphore, #tpu.memory_space<semaphore_mem>>)
        %dma_wait3A_142 = arith.constant 0 : i32
        %dma_wait3A_143 = tpu.memref_slice %arg4[%add3A_124, %dma_wait3A_142] : memref<172032x224xf32, #tpu.memory_space<hbm>> -> memref<224x224xf32, #tpu.memory_space<hbm>>
        %dma_wait3A_144 = arith.constant 0 : i32
        %dma_wait3A_145 = tpu.memref_slice %arg4[%add3A_124, %dma_wait3A_144] : memref<172032x224xf32, #tpu.memory_space<hbm>> -> memref<224x224xf32, #tpu.memory_space<hbm>>
        tpu.wait_dma2 semaphore(%arg9 : memref<!tpu.dma_semaphore, #tpu.memory_space<semaphore_mem>>) src(%arg7 : memref<224x224xf32, #tpu.memory_space<vmem>>) dst(%dma_wait3A_145 : memref<224x224xf32, #tpu.memory_space<hbm>>)
        %scan3A_146 = arith.constant 0 : i32
        scf.yield %scan3A_146 : i32
      }
      %scan3A_118 = arith.constant 3 : i32
      %scan3A_119 = arith.constant 0 : i32
      scf.yield %scan3A_119 : i32
    }
    %scan3A_6 = arith.constant 8 : i32
    return
  }
}

</mosaic_0001>

<sc_bundles>
// kernel: _run.3.cloned.1.call-start
scs
__scs_entry_jumppad:
0x0: {  	(pc) =	sbr.rel $0x88, $3  }
0x1: {  	(tag) =	ssettag $0x0;
	lr =	simm.s32 $0x1  }
0x2: {  	[smem:$0x3F9F] =	sst lr;
	_ =	strace $0xD0000000  }
0x3: {  	_ = 	snop  }
0x4: {  	_ = 	snop  }
0x5: {  	_ = 	snop  }
0x6: {  	_ = 	snop  }
0x7: {  	_ = 	snop  }
__scs_overlays_trampoline_lowered:
0x8: {  	[smem:$0x3FAE] =	sst s0  }
0x9: {  	[smem:$0x3FAF] =	sst s1  }
0xa: {  	[smem:$0x3FB0] =	sst s2  }
0xb: {  	[smem:$0x3FB1] =	sst s3  }
0xc: {  	[smem:$0x3FB2] =	sst s4  }
0xd: {  	[smem:$0x3FB3] =	sst s5  }
0xe: {  	[smem:$0x3FB4] =	sst s6  }
0xf: {  	[smem:$0x3FB5] =	sst s7  }
0x10: {  	[smem:$0x3FB6] =	sst s8  }
0x11: {  	[smem:$0x3FB7] =	sst s9;
	s0 =	simm.s32 @!p0 $0x0  }
0x12: {  	s1 =	sld [smem:$0x3F9D];
	s0 =	simm.s32 @p0 $0x1  }
0x13: {  	[smem:$0x3FB8] =	sst s0;
	s0 =	simm.s32 @!p1 $0x0  }
0x14: {  	s2 =	sld [smem:$0x3F9C];
	s0 =	simm.s32 @p1 $0x1  }
0x15: {  	[smem:$0x3FB9] =	sst s0;
	s0 =	simm.s32 @!p2 $0x0  }
0x16: {  	s3 =	sld [smem:$0x3FDB];
	s0 =	simm.s32 @p2 $0x1  }
0x17: {  	s4 =	simm.s32 $0x1BF5;
	[smem:$0x3FBB] =	sst s0  }
0x18: {  	s0 =	sld [smem:$0x3F9E];
	_ =	swait.ge [sflag:s4], $0x0  }
0x19: {  	s7 =	sld [smem:$0x3F9F]  }
0x1a: {  	s8 =	sadd.s32 $0xFFFFE003, lr  }
0x1b: {  	s9 =	sadd.s32 $0xFFFFFEF7, lr;
	s5 =	simm.s32 $0xFFFFFFFF;
	p2 =	slt.u32 s8, $0xFFFFF086  }
0x1c: {  	p1 =	slt.u32 s9, $0xF7A;
	s5 =	simm.s32 @!p2 $0x0  }
0x1d: {  	s5 =	simm.s32 @p1 $0x1;
	p0 =	seq.s32 s7, s2  }
0x1e: {  	s7 =	smul.u32 @!p0 $0xF7A, s2;
	p2 =	seq.s32 @!p0 s5, $0x0  }
0x1f: {  	s9 =	smul.u32 $0xF7A, s1;
	s8 =	simm.s32 @!p0 $0x1BF5;
	p2 =	por !p2, p0  }
0x20: {  	[sflag:s8] =	ssyncset.s32 @!p0 $0xFFFFF086;
	s6 =	sadd.s32 @!p0 s3, s7;
	s7 =	simm.s32 @!p0 $0x108  }
0x21: {  	s3 =	sadd.s32 s3, s9;
	s6 =	sadd.s32 @!p0 $0x88, s6;
	s7 =	simm.s32 @p2 $0x1082  }
0x22: {  	[simem:s7], [sflag:s8] =	dma.local @!p0 [hbm:s6], $0xF7A  }
0x23: {  	s9 =	sor.u32 $0xD0000000, s2;
	s6 =	simm.s32 $0x108;
	_ =	swait.ge @!p0 [sflag:s8], $0x0  }
0x24: {  	s3 =	sadd.s32 $0x88, s3;
	s6 =	simm.s32 @!p1 $0x1082;
	[sflag:s4] =	ssyncset.s32 $0xFFFFF086  }
0x25: {  	[simem:s6], [sflag:s4] =	dma.local [hbm:s3], $0xF7A  }
0x26: {  	[smem:$0x3F9F] =	sst s1;
	(tag) =	ssettag s2;
	_ =	strace s9  }
0x27: {  	s1 =	sld [smem:$0x3FAF]  }
0x28: {  	s2 =	sld [smem:$0x3FB0]  }
0x29: {  	s4 =	sld [smem:$0x3FB2]  }
0x2a: {  	p0 =	seq.s32 s5, $0x0;
	s5 =	sld [smem:$0x3FB3]  }
0x2b: {  	s6 =	sld [smem:$0x3FB4]  }
0x2c: {  	s7 =	sld [smem:$0x3FB5]  }
0x2d: {  	s3 =	simm.s32 $0x108;
	s8 =	sld [smem:$0x3FB6]  }
0x2e: {  	s3 =	simm.s32 @!p0 $0x1082;
	s9 =	sld [smem:$0x3FB7]  }
0x2f: {  	lr =	sadd.s32 s0, s3;
	s0 =	sld [smem:$0x3FAE]  }
0x30: {  	s3 =	sld [smem:$0x3FB1]  }
0x31: {  	[smem:$0x3FBA] =	sst s10  }
0x32: {  	s10 =	sld [smem:$0x3FB8];
	_ =	sdelay $0x3  }
0x33: {  	p0 =	seq.s32 s10, $0x1;
	s10 =	sld [smem:$0x3FBA];
	_ =	sdelay $0x3  }
0x34: {  	[smem:$0x3FBA] =	sst s10  }
0x35: {  	s10 =	sld [smem:$0x3FB9];
	_ =	sdelay $0x3  }
0x36: {  	p1 =	seq.s32 s10, $0x1;
	s10 =	sld [smem:$0x3FBA];
	_ =	sdelay $0x3  }
0x37: {  	[smem:$0x3FBA] =	sst s10  }
0x38: {  	s10 =	sld [smem:$0x3FBB]  }
0x39: {  	_ = 	snop;
	(pc) =	sbr.ind lr, $3  }
0x3a: {  	_ = 	snop  }
0x3b: {  	_ = 	snop  }
0x3c: {  	p2 =	seq.s32 s10, $0x1;
	s10 =	sld [smem:$0x3FBA]  }
0x3d: {  	_ =	shalt  }
0x3e: {  	_ =	shalt  }
0x3f: {  	_ =	shalt  }
0x40: {  	_ =	shalt  }
0x41: {  	_ =	shalt  }
0x42: {  	_ =	shalt  }
0x43: {  	_ =	shalt  }
0x44: {  	_ =	shalt  }
0x45: {  	_ =	shalt  }
0x46: {  	_ =	shalt  }
0x47: {  	_ =	shalt  }
0x48: {  	_ =	shalt  }
0x49: {  	_ =	shalt  }
0x4a: {  	_ =	shalt  }
0x4b: {  	_ =	shalt  }
0x4c: {  	_ =	shalt  }
0x4d: {  	_ =	shalt  }
0x4e: {  	_ =	shalt  }
0x4f: {  	_ =	shalt  }
0x50: {  	_ =	shalt  }
0x51: {  	_ =	shalt  }
0x52: {  	_ =	shalt  }
0x53: {  	_ =	shalt  }
0x54: {  	_ =	shalt  }
0x55: {  	_ =	shalt  }
0x56: {  	_ =	shalt  }
0x57: {  	_ =	shalt  }
0x58: {  	_ =	shalt  }
0x59: {  	_ =	shalt  }
0x5a: {  	_ =	shalt  }
0x5b: {  	_ =	shalt  }
0x5c: {  	_ =	shalt  }
0x5d: {  	_ =	shalt  }
0x5e: {  	_ =	shalt  }
0x5f: {  	_ =	shalt  }
0x60: {  	_ =	shalt  }
0x61: {  	_ =	shalt  }
0x62: {  	_ =	shalt  }
0x63: {  	_ =	shalt  }
0x64: {  	_ =	shalt  }
0x65: {  	_ =	shalt  }
0x66: {  	_ =	shalt  }
0x67: {  	_ =	shalt  }
0x68: {  	_ =	shalt  }
0x69: {  	_ =	shalt  }
0x6a: {  	_ =	shalt  }
0x6b: {  	_ =	shalt  }
0x6c: {  	_ =	shalt  }
0x6d: {  	_ =	shalt  }
0x6e: {  	_ =	shalt  }
0x6f: {  	_ =	shalt  }
0x70: {  	_ =	shalt  }
0x71: {  	_ =	shalt  }
0x72: {  	_ =	shalt  }
0x73: {  	_ =	shalt  }
0x74: {  	_ =	shalt  }
0x75: {  	_ =	shalt  }
0x76: {  	_ =	shalt  }
0x77: {  	_ =	shalt  }
0x78: {  	_ =	shalt  }
0x79: {  	_ =	shalt  }
0x7a: {  	_ =	shalt  }
0x7b: {  	_ =	shalt  }
0x7c: {  	_ =	shalt  }
0x7d: {  	_ =	shalt  }
0x7e: {  	_ =	shalt  }
0x7f: {  	_ =	shalt  }
0x80: {  	_ =	shalt  }
0x81: {  	_ =	shalt  }
0x82: {  	_ =	shalt  }
0x83: {  	_ =	shalt  }
0x84: {  	_ =	shalt  }
0x85: {  	_ =	shalt  }
0x86: {  	_ =	shalt  }
0x87: {  	_ =	shalt  }
.Lfunc_end0:
.L_simem_size_0:
called_computation.1_lowered:
.L_overlay_start_0:
0x88: {  	s2 =	sld [smem:$0x3FD9]  }
0x89: {  	s3 =	sld [smem:$0x3FFE];
	_ =	sdelay $0x1  }
0x8a: {  	s1 =	srdreg.scid  }
0x8b: {  	s0 =	sand.u32 $0x1, s1  }
0x8c: {  	s17 =	sshll.u32 s0, $0xA;
	s2 =	sadd.s32 s3, s2  }
0x8d: {  	s2 =	sadd.s32 s2, s17  }
0x8e: {  	[smem:$0x3FC6] =	sst s2  }
0x8f: {  	_ = 	snop  }
0x90: {  	s2 =	sld [smem:$0x3FD0];
	(tm) =	ssettm $0x1  }
0x91: {  	s18 =	sld [smem:$0x3FFB];
	_ =	sdelay $0x3  }
0x92: {  	_ =	strace s18  }
0x93: {  	s3 =	sld [smem:$0x3FFC];
	_ =	sdelay $0x3  }
0x94: {  	_ =	strace s3  }
0x95: {  	s3 =	sld [smem:$0x3FFD];
	_ =	sdelay $0x3  }
0x96: {  	_ =	strace s3  }
0x97: {  	_ =	strace $0x8FFFFFFF  }
0x98: {  	s19 =	sld [smem:$0x3FDB];
	_ =	sdelay $0x1  }
0x99: {  	s4 =	simm.s32 $_scs_section_size  }
0x9a: {  	s5 =	simm.s32 $_size__tile_overlayer_lowered;
	s6 =	simm.s32 $_tile_overlayer_lowered  }
0x9b: {  	s22 =	simm.s32 $0x1BFF;
	s21 =	sshll.u32 s6, $0x1;
	s3 =	sadd.s32 s4, s19  }
0x9c: {  	s7 =	simm.s32 $0x0;
	s20 =	sshll.u32 s5, $0x1;
	s5 =	sadd.s32 s21, s3  }
0x9d: {  	[timem:s7], [sflag:s22] =	dma.local [hbm:s5], s20  }
0x9e: {  	_ =	swait.ge [sflag:s22], s20  }
0x9f: {  	s4 =	ssub.s32 $0x0, s20;
	[sflag:s22] =	ssyncset.done $0x0  }
0xa0: {  	[sflag:s22] =	ssyncadd.s32 s4;
	_ =	sdelay $0x1  }
0xa1: {  	s23 =	simm.s32 $0x1B8B  }
0xa2: {  	_ =	swait.ge [sflag:s23], $0x1  }
0xa3: {  	[sflag:s23] =	ssyncset.done $0x0  }
0xa4: {  	s25 =	simm.s32 $0x1B8E;
	s24 =	sld [smem:$0x3FFE];
	[sflag:s23] =	ssyncadd.s32 $0xFFFFFFFF  }
0xa5: {  	s26 =	simm.s32 $execute0_lowered;
	[smem:$0x3FD2] =	sst s25  }
0xa6: {  	s5 =	sshll.u32 s26, $0x1;
	_ =	strace $0x80000046;
	[dreg:$0x1] =	wrdreg $0xFFFFFFFF  }
0xa7: {  	s28 =	simm.s32 $_size_execute0_lowered;
	s3 =	sadd.s32 s3, s5;
	[dreg:$0x0] =	wrdreg $0x0  }
0xa8: {  	s5 =	sshll.u32 s28, $0x1;
	[dreg:$0x2] =	wrdreg s3  }
0xa9: {  	[dreg:$0x3] =	wrdreg s5  }
0xaa: {  	[dreg:$0x4] =	wrdreg $0xC0  }
0xab: {  	_ =	task [dreg:s7], $0x5FFFF  }
0xac: {  	[dreg:$0x1] =	wrdreg $0xFFFFFFFF  }
0xad: {  	[dreg:$0x0] =	wrdreg $0x60  }
0xae: {  	[dreg:$0x2] =	wrdreg s2  }
0xaf: {  	[dreg:$0x3] =	wrdreg s24  }
0xb0: {  	[dreg:$0x4] =	wrdreg $0x9  }
0xb1: {  	_ =	task.clear_ibuf [dreg:s7], $0x5FFFF;
	_ =	strace $0x90000046  }
0xb2: {  	s29 =	simm.s32 $0x9;
	_ =	strace $0x80000048  }
0xb3: {  	_ =	swait.ge [sflag:s29], $0x1  }
0xb4: {  	[sflag:s29] =	ssyncadd.s32 $0xFFFFFFFF  }
0xb5: {  	_ =	strace $0x90000048  }
0xb6: {  	_ =	sfence  }
0xb7: {  	s30 =	sld [smem:$0x0];
	_ =	sdelay $0x2  }
0xb8: {  	s31 =	sshll.u32 s1, $0xD;
	s1 =	sshrl.u32 s1, $0x2  }
0xb9: {  	s3 =	sand.u32 $0x4000, s31;
	s1 =	sadd.s32 s1, s30  }
0xba: {  	s0 =	sor.u32 s3, s0;
	s1 =	sshll.u32 s1, $0x11  }
0xbb: {  	s0 =	sor.u32 s1, s0  }
0xbc: {  	s0 =	sadd.s32 $0x8F2B, s0  }
0xbd: {  	[sflag:s0] =	ssyncadd.remote.s32 $0x1  }
0xbe: {  	_ =	sfence.sel $0xFFFF  }
0xbf: {  	[dreg:$0x0] =	wrdreg $0xFFFFFFFF;
	(pc) =	sbr.abs _section_cstart, $3  }
0xc0: {  	[dreg:$0x1] =	wrdreg $0xFFFFFFFF  }
0xc1: {  	_ =	task.clear_ibuf [dreg:s7], $0x2FFFF;
	_ =	strace $0x9FFFFFFF  }
0xc2: {  	(tm) =	ssettm $0x7FFFFFFF  }
0xc3: {  	_ =	shalt  }
tec
execute0_lowered:
.L_overlay_start_1:
0x0: {  	(tag) =	ssettag $0x1  }
0x1: {  	s1 =	rddreg [dreg:$0x0]  }
0x2: {  	s5 =	rddreg [dreg:$0x1]  }
0x3: {  	s0 =	rddreg [dreg:$0x2]  }
0x4: {  	s2 =	simm.s32 $0x0;
	s3 =	srdreg.scid;
	s9 =	simm.s32 $0xC0  }
0x5: {  	s10 =	simm.s32 $0x1;
	s11 =	simm.s32 $0xC4C0;
	s12 =	simm.s32 $0x2  }
0x6: {  	s13 =	simm.s32 $0x0;
	[smem:$0x7FF] =	sst s2;
	s6 =	sand.u32 $0x1, s3  }
0x7: {  	v0 =	vlaneseq.u32;
	s4 =	sadd.s32 $0xA00, s5;
	s3 =	stileid.u32;
	s7 =	ssub.s32 $0x2, s6  }
0x8: {  	s5 =	sadd.s32 $0x2200, s5;
	v0 =	vmul.u32 $0xFFFFFFFF, v0;
	_ =	strace $0x80000047;
	s8 =	sshrl.u32 s7, $0x1  }
0x9: {  	s31 =	sshll.u32 s3, $0x4;
	s6 =	sshll.u32 s6, $0x3;
	s7 =	ssub.s32 s7, s8  }
0xa: {  	s6 =	sor.u32 s6, s31;
	v0 =	vadd.s32 $0xF, v0;
	s8 =	simm.s32 $0x3;
	s7 =	smax.u32 s7, $0x1  }
.LBB2_1:
0xb: {  	s14 =	simm.s32 $0x0  }
.LBB2_2:
0xc: {  	s15 =	sadd.s32 s6, s14  }
0xd: {  	s16 =	smul.u32 $0x18, s15;
	_ =	sdelay $0x1  }
0xe: {  	s17 =	sadd.s32 s4, s16;
	s16 =	simm.s32 $0x0  }
0xf: {  	[tilespmem:s16], [sflag:$0x3] =	stream.linear.gather [hbm4b:s17+s16], $0xC0, $0x38;
	[tilespmem:$0x188C0] =	vst v63  }
0x10: {  	_ =	swait.ge [sflag:s8], $0xC0  }
0x11: {  	[sflag:s8] =	ssyncset.done $0x0  }
0x12: {  	v1 =	vimm.f32 $0.0e+00;
	v2 =	vimm.f32 $0.0e+00;
	s15 =	smul.u32 $0x2A0, s15;
	s17 =	simm.s32 $0x0;
	[sflag:s8] =	ssyncadd.s32 $0xFFFFFF40  }
.LBB2_3:
0x13: {  	s18 =	smul.u32 $0xE0, s17;
	_ =	sdelay $0x1  }
0x14: {  	s18 =	sadd.s32 s15, s18  }
0x15: {  	s18 =	smul.u32 $0x1C, s18;
	_ =	sdelay $0x1  }
0x16: {  	s18 =	sadd.s32 s1, s18  }
0x17: {  	[tilespmem:s9], [sflag:$0x1] =	stream.linear.gather [hbm4b:s18+s16], $0xC400, $0x38;
	[tilespmem:$0x188C0] =	vst v63  }
0x18: {  	_ =	swait.ge [sflag:s10], $0xC400  }
0x19: {  	[sflag:s10] =	ssyncset.done $0x0  }
0x1a: {  	s31 =	simm.s32 $0x0;
	[sflag:s10] =	ssyncadd.s32 $0xFFFF3C00  }
0x1b: {  	v3 =	vld [tilespmem:s31+$0xC0];
	_ =	sdelay $0x1  }
0x1c: {  	v4 =	vld [tilespmem:s31+$0xD0];
	_ =	sdelay $0x1  }
0x1d: {  	v5 =	vld [tilespmem:s31+$0xE0]  }
0x1e: {  	v6 =	vsub.f32 $1.000000000e+00, v3  }
0x1f: {  	v7 =	vld [tilespmem:s31+$0xF0];
	vm0 =	vlt.f32 v3, $5.000000000e-01  }
0x20: {  	v8 =	vsub.f32 $1.000000000e+00, v4;
	v6 =	vsel vm0, v3, v6  }
0x21: {  	v2 =	vadd.f32 v3, v2;
	vm6 =	vlt.f32 v4, $5.000000000e-01;
	v3 =	vld [tilespmem:s31+$0x100];
	v1 =	vadd.f32 v6, v1  }
0x22: {  	v6 =	vsel vm6, v4, v8;
	v8 =	vsub.f32 $1.000000000e+00, v5  }
0x23: {  	vm7 =	vlt.f32 v5, $5.000000000e-01;
	v2 =	vadd.f32 v4, v2;
	v4 =	vld [tilespmem:s31+$0x110];
	v1 =	vadd.f32 v6, v1  }
0x24: {  	v6 =	vsel vm7, v5, v8;
	v8 =	vsub.f32 $1.000000000e+00, v7  }
0x25: {  	vm8 =	vlt.f32 v7, $5.000000000e-01;
	v2 =	vadd.f32 v5, v2;
	v5 =	vld [tilespmem:s31+$0x120];
	v1 =	vadd.f32 v6, v1  }
0x26: {  	v6 =	vsel vm8, v7, v8;
	v8 =	vsub.f32 $1.000000000e+00, v3  }
0x27: {  	v2 =	vadd.f32 v7, v2;
	vm9 =	vlt.f32 v3, $5.000000000e-01;
	v1 =	vadd.f32 v6, v1;
	v6 =	vld [tilespmem:s31+$0x130]  }
0x28: {  	v7 =	vsel vm9, v3, v8;
	v8 =	vsub.f32 $1.000000000e+00, v4  }
0x29: {  	v2 =	vadd.f32 v3, v2;
	vm10 =	vlt.f32 v4, $5.000000000e-01;
	v3 =	vld [tilespmem:s31+$0x140];
	v1 =	vadd.f32 v7, v1  }
0x2a: {  	v7 =	vsel vm10, v4, v8;
	v8 =	vsub.f32 $1.000000000e+00, v5  }
0x2b: {  	v2 =	vadd.f32 v4, v2;
	vm11 =	vlt.f32 v5, $5.000000000e-01;
	v4 =	vadd.f32 v7, v1;
	v7 =	vld [tilespmem:s31+$0x150]  }
0x2c: {  	v8 =	vsel vm11, v5, v8;
	v9 =	vsub.f32 $1.000000000e+00, v6  }
0x2d: {  	v2 =	vadd.f32 v5, v2;
	v1 =	vld [tilespmem:s31+$0x160];
	vm12 =	vlt.f32 v6, $5.000000000e-01;
	v4 =	vadd.f32 v8, v4  }
0x2e: {  	v8 =	vsub.f32 $1.000000000e+00, v3;
	v5 =	vsel vm12, v6, v9  }
0x2f: {  	vm13 =	vlt.f32 v3, $5.000000000e-01;
	v6 =	vadd.f32 v6, v2;
	v2 =	vld [tilespmem:s31+$0x170];
	v4 =	vadd.f32 v5, v4  }
0x30: {  	v5 =	vsel vm13, v3, v8;
	v8 =	vsub.f32 $1.000000000e+00, v7  }
0x31: {  	v3 =	vadd.f32 v3, v6;
	vm14 =	vlt.f32 v7, $5.000000000e-01;
	v6 =	vadd.f32 v5, v4;
	v4 =	vld [tilespmem:s31+$0x180]  }
0x32: {  	v9 =	vsub.f32 $1.000000000e+00, v1;
	v8 =	vsel vm14, v7, v8  }
0x33: {  	vm15 =	vlt.f32 v1, $5.000000000e-01;
	v5 =	vadd.f32 v7, v3;
	v3 =	vld [tilespmem:s31+$0x190];
	v6 =	vadd.f32 v8, v6  }
0x34: {  	s19 =	simm.s32 $0x700;
	s18 =	simm.s32 $0xE0;
	v8 =	vsel vm15, v1, v9;
	v7 =	vsub.f32 $1.000000000e+00, v2  }
.LBB2_4:
0x35: {  	p0 =	sne.s32 s19, $0x30C80;
	v9 =	vld [tilespmem:s18+$0xC0];
	v1 =	vadd.f32 v1, v5;
	v5 =	vadd.f32 v8, v6;
	vm0 =	vlt.f32 v2, $5.000000000e-01  }
0x36: {  	v6 =	vsel vm0, v2, v7;
	v7 =	vsub.f32 $1.000000000e+00, v4  }
0x37: {  	vm0 =	vlt.f32 v4, $5.000000000e-01;
	v8 =	vld [tilespmem:s18+$0xD0];
	v1 =	vadd.f32 v2, v1;
	v2 =	vadd.f32 v6, v5  }
0x38: {  	v5 =	vsel vm0, v4, v7;
	v6 =	vsub.f32 $1.000000000e+00, v3  }
0x39: {  	vm0 =	vlt.f32 v3, $5.000000000e-01;
	v7 =	vld [tilespmem:s18+$0xE0];
	v1 =	vadd.f32 v4, v1;
	v2 =	vadd.f32 v5, v2  }
0x3a: {  	v4 =	vsub.f32 $1.000000000e+00, v9;
	v5 =	vsel vm0, v3, v6  }
0x3b: {  	vm0 =	vlt.f32 v9, $5.000000000e-01;
	v6 =	vld [tilespmem:s18+$0xF0];
	v1 =	vadd.f32 v3, v1;
	v2 =	vadd.f32 v5, v2  }
0x3c: {  	v3 =	vsel vm0, v9, v4;
	v4 =	vsub.f32 $1.000000000e+00, v8  }
0x3d: {  	vm0 =	vlt.f32 v8, $5.000000000e-01;
	v1 =	vadd.f32 v9, v1;
	v2 =	vadd.f32 v3, v2;
	v3 =	vld [tilespmem:s18+$0x100]  }
0x3e: {  	v4 =	vsel vm0, v8, v4;
	v5 =	vsub.f32 $1.000000000e+00, v7  }
0x3f: {  	vm0 =	vlt.f32 v7, $5.000000000e-01;
	v1 =	vadd.f32 v8, v1;
	v2 =	vadd.f32 v4, v2;
	v4 =	vld [tilespmem:s18+$0x110]  }
0x40: {  	v5 =	vsel vm0, v7, v5;
	v8 =	vsub.f32 $1.000000000e+00, v6  }
0x41: {  	vm0 =	vlt.f32 v6, $5.000000000e-01;
	v1 =	vadd.f32 v7, v1;
	v2 =	vadd.f32 v5, v2;
	v5 =	vld [tilespmem:s18+$0x120]  }
0x42: {  	v7 =	vsel vm0, v6, v8;
	v8 =	vsub.f32 $1.000000000e+00, v3  }
0x43: {  	vm0 =	vlt.f32 v3, $5.000000000e-01;
	v1 =	vadd.f32 v6, v1;
	v2 =	vadd.f32 v7, v2;
	v6 =	vld [tilespmem:s18+$0x130]  }
0x44: {  	v7 =	vsel vm0, v3, v8;
	v8 =	vsub.f32 $1.000000000e+00, v4  }
0x45: {  	vm0 =	vlt.f32 v4, $5.000000000e-01;
	v1 =	vadd.f32 v3, v1;
	v2 =	vadd.f32 v7, v2;
	v3 =	vld [tilespmem:s18+$0x140]  }
0x46: {  	v7 =	vsel vm0, v4, v8;
	v8 =	vsub.f32 $1.000000000e+00, v5  }
0x47: {  	vm0 =	vlt.f32 v5, $5.000000000e-01;
	v1 =	vadd.f32 v4, v1;
	v2 =	vadd.f32 v7, v2;
	v7 =	vld [tilespmem:s18+$0x150]  }
0x48: {  	v4 =	vsel vm0, v5, v8;
	v8 =	vsub.f32 $1.000000000e+00, v6  }
0x49: {  	vm0 =	vlt.f32 v6, $5.000000000e-01;
	v5 =	vadd.f32 v5, v1;
	v2 =	vadd.f32 v4, v2;
	v1 =	vld [tilespmem:s18+$0x160]  }
0x4a: {  	v4 =	vsel vm0, v6, v8;
	v8 =	vsub.f32 $1.000000000e+00, v3  }
0x4b: {  	vm0 =	vlt.f32 v3, $5.000000000e-01;
	v5 =	vadd.f32 v6, v5;
	v4 =	vadd.f32 v4, v2;
	v2 =	vld [tilespmem:s18+$0x170]  }
.Ltmp0:
0x4c: {  	v6 =	vsel vm0, v3, v8;
	v8 =	vsub.f32 $1.000000000e+00, v7;
	(pc) =	sbr.rel @p0 .LBB2_4-.Ltmp0, $4  }
0x4d: {  	vm0 =	vlt.f32 v7, $5.000000000e-01;
	v3 =	vadd.f32 v3, v5;
	v6 =	vadd.f32 v6, v4;
	v4 =	vld [tilespmem:s18+$0x180]  }
0x4e: {  	v8 =	vsel vm0, v7, v8;
	v9 =	vsub.f32 $1.000000000e+00, v1  }
0x4f: {  	vm0 =	vlt.f32 v1, $5.000000000e-01;
	v5 =	vadd.f32 v7, v3;
	v6 =	vadd.f32 v8, v6;
	v3 =	vld [tilespmem:s18+$0x190]  }
0x50: {  	s18 =	sshra.s32 s19, $0x2;
	s19 =	sadd.s32 $0x380, s19;
	v8 =	vsel vm0, v1, v9;
	v7 =	vsub.f32 $1.000000000e+00, v2  }
0x51: {  	v9 =	vld [tilespmem:s18+$0xC0];
	v1 =	vadd.f32 v1, v5;
	v23 =	vadd.f32 v8, v6;
	vm0 =	vlt.f32 v2, $5.000000000e-01  }
0x52: {  	v24 =	vsel vm0, v2, v7;
	v25 =	vsub.f32 $1.000000000e+00, v4  }
0x53: {  	v26 =	vld [tilespmem:s18+$0xD0];
	vm12 =	vlt.f32 v4, $5.000000000e-01;
	v1 =	vadd.f32 v2, v1;
	v2 =	vadd.f32 v24, v23  }
0x54: {  	v27 =	vsel vm12, v4, v25;
	v28 =	vsub.f32 $1.000000000e+00, v3  }
0x55: {  	v29 =	vld [tilespmem:s18+$0xE0];
	vm13 =	vlt.f32 v3, $5.000000000e-01;
	v1 =	vadd.f32 v4, v1;
	v2 =	vadd.f32 v27, v2  }
0x56: {  	v30 =	vsub.f32 $1.000000000e+00, v9;
	v31 =	vsel vm13, v3, v28  }
0x57: {  	v32 =	vld [tilespmem:s18+$0xF0];
	vm14 =	vlt.f32 v9, $5.000000000e-01;
	v1 =	vadd.f32 v3, v1;
	v2 =	vadd.f32 v31, v2  }
0x58: {  	v33 =	vsub.f32 $1.000000000e+00, v26;
	v3 =	vsel vm14, v9, v30  }
0x59: {  	vm15 =	vlt.f32 v26, $5.000000000e-01;
	v1 =	vadd.f32 v9, v1;
	v2 =	vadd.f32 v3, v2;
	v3 =	vld [tilespmem:s18+$0x100]  }
0x5a: {  	v34 =	vsub.f32 $1.000000000e+00, v29;
	v4 =	vsel vm15, v26, v33  }
0x5b: {  	v35 =	vld [tilespmem:s18+$0x110];
	vm4 =	vlt.f32 v29, $5.000000000e-01;
	v1 =	vadd.f32 v26, v1;
	v2 =	vadd.f32 v4, v2  }
0x5c: {  	v36 =	vsub.f32 $1.000000000e+00, v32;
	v5 =	vsel vm4, v29, v34  }
0x5d: {  	v37 =	vld [tilespmem:s18+$0x120];
	vm5 =	vlt.f32 v32, $5.000000000e-01;
	v1 =	vadd.f32 v29, v1;
	v2 =	vadd.f32 v5, v2  }
0x5e: {  	v38 =	vsel vm5, v32, v36;
	v39 =	vsub.f32 $1.000000000e+00, v3  }
0x5f: {  	v40 =	vld [tilespmem:s18+$0x130];
	vm6 =	vlt.f32 v3, $5.000000000e-01;
	v1 =	vadd.f32 v32, v1;
	v2 =	vadd.f32 v38, v2  }
0x60: {  	v42 =	vsub.f32 $1.000000000e+00, v35;
	v41 =	vsel vm6, v3, v39  }
0x61: {  	vm7 =	vlt.f32 v35, $5.000000000e-01;
	v1 =	vadd.f32 v3, v1;
	v2 =	vadd.f32 v41, v2;
	v3 =	vld [tilespmem:s18+$0x140]  }
0x62: {  	v44 =	vsub.f32 $1.000000000e+00, v37;
	v43 =	vsel vm7, v35, v42  }
0x63: {  	v45 =	vld [tilespmem:s18+$0x150];
	vm8 =	vlt.f32 v37, $5.000000000e-01;
	v1 =	vadd.f32 v35, v1;
	v2 =	vadd.f32 v43, v2  }
0x64: {  	v47 =	vsub.f32 $1.000000000e+00, v40;
	v46 =	vsel vm8, v37, v44  }
0x65: {  	v48 =	vld [tilespmem:s18+$0x160];
	vm9 =	vlt.f32 v40, $5.000000000e-01;
	v1 =	vadd.f32 v37, v1;
	v2 =	vadd.f32 v46, v2  }
0x66: {  	v49 =	vsel vm9, v40, v47;
	v50 =	vsub.f32 $1.000000000e+00, v3  }
0x67: {  	v51 =	vld [tilespmem:s18+$0x170];
	vm10 =	vlt.f32 v3, $5.000000000e-01;
	v1 =	vadd.f32 v40, v1;
	v2 =	vadd.f32 v49, v2  }
0x68: {  	v53 =	vsub.f32 $1.000000000e+00, v45;
	v52 =	vsel vm10, v3, v50  }
0x69: {  	vm11 =	vlt.f32 v45, $5.000000000e-01;
	v1 =	vadd.f32 v3, v1;
	v2 =	vadd.f32 v52, v2;
	v3 =	vld [tilespmem:s18+$0x180]  }
0x6a: {  	v55 =	vsub.f32 $1.000000000e+00, v48;
	v54 =	vsel vm11, v45, v53  }
0x6b: {  	v56 =	vld [tilespmem:s18+$0x190];
	vm12 =	vlt.f32 v48, $5.000000000e-01;
	v1 =	vadd.f32 v45, v1;
	v2 =	vadd.f32 v54, v2  }
0x6c: {  	v58 =	vsub.f32 $1.000000000e+00, v51;
	v57 =	vsel vm12, v48, v55  }
0x6d: {  	s17 =	sadd.s32 $0x1, s17;
	vm13 =	vlt.f32 v51, $5.000000000e-01;
	v1 =	vadd.f32 v48, v1;
	v2 =	vadd.f32 v57, v2  }
0x6e: {  	p0 =	sne.s32 s17, $0x3;
	v59 =	vsel vm13, v51, v58;
	v60 =	vsub.f32 $1.000000000e+00, v3  }
.Ltmp1:
0x6f: {  	vm14 =	vlt.f32 v3, $5.000000000e-01;
	v1 =	vadd.f32 v51, v1;
	v2 =	vadd.f32 v59, v2;
	(pc) =	sbr.rel @p0 .LBB2_3-.Ltmp1, $4  }
0x70: {  	v62 =	vsub.f32 $1.000000000e+00, v56;
	v61 =	vsel vm14, v3, v60  }
0x71: {  	vm15 =	vlt.f32 v56, $5.000000000e-01;
	v1 =	vadd.f32 v3, v1;
	v3 =	vadd.f32 v61, v2  }
0x72: {  	v63 =	vsel vm15, v56, v62  }
0x73: {  	v2 =	vadd.f32 v56, v1;
	v1 =	vadd.f32 v63, v3  }
0x74: {  	_ = 	snop  }
0x75: {  	(xrf2) =	vadd.scan.msk.f32 $0xffff, v2;
	_ =	sdelay $0x6  }
0x76: {  	(xrf2) =	vadd.scan.msk.f32 $0xffff, v1;
	_ =	sdelay $0x2  }
0x77: {  	v1, _, _ =	vpop (xrf2)  }
0x78: {  	(v2sf) =	vpush v1, $0xF;
	_ =	sdelay $0x1  }
0x79: {  	v1 =	vld [tilespmem:$0xA0]  }
0x7a: {  	v2 =	vld [tilespmem:$0xB0];
	_ =	sdelay $0x2  }
0x7b: {  	v3, _, _ =	vpop (xrf2)  }
0x7c: {  	(v2sf) =	vpush v3, $0xF;
	(xrf0) =	vmax.scan.msk.f32 $0xffff, v1  }
0x7d: {  	(xrf0) =	vmax.scan.msk.f32 $0xffff, v2;
	_ =	sdelay $0x4  }
0x7e: {  	v2, _, _ =	vpop (xrf0)  }
0x7f: {  	v3 =	vld [tilespmem:$0x20];
	(v2sf) =	vpush v2, $0xF;
	v2, _, _ =	vpop (xrf0)  }
0x80: {  	v4 =	vld [tilespmem:$0x10];
	s16 =	spop (v2sf);
	(v2sf) =	vpush v2, $0xF  }
0x81: {  	v1 =	vld [tilespmem:$0x0]  }
0x82: {  	s16 =	smul.f32 $6.643282180e-06, s16  }
0x83: {  	v5 =	vld [tilespmem:$0x70]  }
0x84: {  	v2 =	vmul.f32 s16, v3;
	_ =	sdelay $0x1  }
0x85: {  	v3 =	vmul.f32 s16, v1;
	v2 =	vadd.f32 v2, v4  }
0x86: {  	v6 =	vld [tilespmem:$0x30];
	s31 =	spop (v2sf)  }
0x87: {  	v7 =	vld [tilespmem:$0x60];
	s16 =	smul.f32 $6.643282180e-06, s31;
	v4 =	vsub.f32 $1.000000000e+00, v5;
	v3 =	vadd.f32 v2, v3  }
0x88: {  	v8 =	vld [tilespmem:$0x80]  }
0x89: {  	v9 =	vld [tilespmem:$0x90];
	v3 =	vmul.f32 v4, v3;
	v4 =	vmul.f32 s16, v5  }
0x8a: {  	v5 =	vld [tilespmem:$0x50]  }
0x8b: {  	v3 =	vadd.f32 v3, v4;
	_ =	sdelay $0x1  }
0x8c: {  	s17 =	spop (v2sf);
	v3 =	vmul.f32 v3, v7  }
0x8d: {  	vm0 =	vgt.f32 v9, $5.000000000e-01;
	s16 =	simm.s32 $0x0;
	s18 =	spop (v2sf)  }
0x8e: {  	vm1 =	vgt.f32 v8, $5.000000000e-01;
	vm2 =	vgt.f32 v6, $5.000000000e-01;
	v4 =	vld [tilespmem:$0x40];
	p1 =	sgt.f32 s17, $5.000000000e-01;
	s17 =	simm.s32 $0x0;
	v3 =	vadd.f32 v3, v5;
	p0 =	sgt.f32 s18, $5.000000000e-01  }
.LBB2_7:
0x8f: {  	s18 =	smul.u32 $0xE0, s17;
	_ =	sdelay $0x1  }
0x90: {  	s18 =	sadd.s32 s15, s18  }
0x91: {  	s18 =	smul.u32 $0x1C, s18;
	_ =	sdelay $0x1  }
0x92: {  	s19 =	sadd.s32 s1, s18  }
0x93: {  	[tilespmem:s9], [sflag:$0x1] =	stream.linear.gather [hbm4b:s19+s16], $0xC400, $0x38;
	[tilespmem:$0x188C0] =	vst v63  }
0x94: {  	s20 =	simm.s32 $0xDF;
	p2 =	por $0x1, $0x1;
	s19 =	simm.s32 $0x0  }
0x95: {  	s21 =	simm.s32 $0x0;
	s19 =	smov.u32 @p2 s20  }
0x96: {  	s21 =	smov.u32 @p0 s19  }
0x97: {  	s19 =	ssub.s32 $0xDF, s21  }
0x98: {  	s21 =	smov.u32 @p1 s19  }
0x99: {  	_ =	swait.ge [sflag:s10], $0xC400;
	s19 =	smul.u32 $0x380, s21  }
0x9a: {  	[sflag:s10] =	ssyncset.done $0x0  }
0x9b: {  	[sflag:s10] =	ssyncadd.s32 $0xFFFF3C00;
	s19 =	sshra.s32 s19, $0x2  }
0x9c: {  	v5 =	vld [tilespmem:s19+$0xC0]  }
0x9d: {  	v6 =	vld [tilespmem:s19+$0x190];
	_ =	sdelay $0x3  }
0x9e: {  	v5 =	vmul.f32 v5, v1  }
0x9f: {  	v6 =	vmul.f32 v6, v1  }
0xa0: {  	v5 =	vadd.f32 v5, v2  }
0xa1: {  	v6 =	vadd.f32 v6, v2  }
0xa2: {  	vm3 =	vge.f32 v5, $5.000000000e-01;
	v7 =	vsub.f32 $1.000000000e+00, v5  }
0xa3: {  	vm4 =	vge.f32 v6, $5.000000000e-01;
	v8 =	vsub.f32 $1.000000000e+00, v6;
	vm3 =	vmand vm2, vm3  }
0xa4: {  	v5 =	vsel vm3, v7, v5;
	vm3 =	vmand vm2, vm4  }
0xa5: {  	v5 =	vmul.f32 v5, v4;
	v6 =	vsel vm3, v8, v6  }
0xa6: {  	v6 =	vmul.f32 v6, v4  }
0xa7: {  	v5 =	vadd.f32 v5, v3  }
0xa8: {  	v6 =	vadd.f32 v6, v3  }
0xa9: {  	vm3 =	vge.f32 v5, $5.000000000e-01;
	v7 =	vsub.f32 $1.000000000e+00, v5  }
0xaa: {  	vm3 =	vmand vm1, vm3;
	vm12 =	vge.f32 v6, $5.000000000e-01;
	v8 =	vsub.f32 $1.000000000e+00, v6  }
0xab: {  	v5 =	vsel vm3, v7, v5;
	vm3 =	vmand vm1, vm12  }
0xac: {  	v6 =	vsel vm3, v8, v6;
	v7 =	vperm.xlane v5, v0  }
0xad: {  	v8 =	vperm.xlane v6, v0  }
0xae: {  	s21 =	simm.s32 $0xC530;
	v6 =	vsel vm0, v7, v6  }
0xaf: {  	v5 =	vsel vm0, v8, v5;
	[tilespmem:s21+$0x60] =	vst v6  }
0xb0: {  	[tilespmem:s21+$0xFFFFFF90] =	vst v5  }
0xb1: {  	v5 =	vld [tilespmem:s19+$0xD0]  }
0xb2: {  	v6 =	vld [tilespmem:s19+$0x180];
	_ =	sdelay $0x3  }
0xb3: {  	v5 =	vmul.f32 v5, v1  }
0xb4: {  	v6 =	vmul.f32 v6, v1  }
0xb5: {  	v5 =	vadd.f32 v5, v2  }
0xb6: {  	v6 =	vadd.f32 v6, v2  }
0xb7: {  	vm3 =	vge.f32 v5, $5.000000000e-01;
	v7 =	vsub.f32 $1.000000000e+00, v5  }
0xb8: {  	vm13 =	vge.f32 v6, $5.000000000e-01;
	v8 =	vsub.f32 $1.000000000e+00, v6;
	vm3 =	vmand vm2, vm3  }
0xb9: {  	v5 =	vsel vm3, v7, v5;
	vm3 =	vmand vm2, vm13  }
0xba: {  	v5 =	vmul.f32 v5, v4;
	v6 =	vsel vm3, v8, v6  }
0xbb: {  	v6 =	vmul.f32 v6, v4  }
0xbc: {  	v5 =	vadd.f32 v5, v3  }
0xbd: {  	v6 =	vadd.f32 v6, v3  }
0xbe: {  	vm3 =	vge.f32 v5, $5.000000000e-01;
	v7 =	vsub.f32 $1.000000000e+00, v5  }
0xbf: {  	vm3 =	vmand vm1, vm3;
	vm14 =	vge.f32 v6, $5.000000000e-01;
	v8 =	vsub.f32 $1.000000000e+00, v6  }
0xc0: {  	v5 =	vsel vm3, v7, v5;
	vm3 =	vmand vm1, vm14  }
0xc1: {  	v6 =	vsel vm3, v8, v6;
	v7 =	vperm.xlane v5, v0  }
0xc2: {  	v8 =	vperm.xlane v6, v0  }
0xc3: {  	v6 =	vsel vm0, v7, v6  }
0xc4: {  	v5 =	vsel vm0, v8, v5;
	[tilespmem:s21+$0x50] =	vst v6  }
0xc5: {  	[tilespmem:s21+$0xFFFFFFA0] =	vst v5  }
0xc6: {  	v5 =	vld [tilespmem:s19+$0xE0]  }
0xc7: {  	v6 =	vld [tilespmem:s19+$0x170];
	_ =	sdelay $0x3  }
0xc8: {  	v5 =	vmul.f32 v5, v1  }
0xc9: {  	v6 =	vmul.f32 v6, v1  }
0xca: {  	v5 =	vadd.f32 v5, v2  }
0xcb: {  	v6 =	vadd.f32 v6, v2  }
0xcc: {  	vm3 =	vge.f32 v5, $5.000000000e-01;
	v7 =	vsub.f32 $1.000000000e+00, v5  }
0xcd: {  	vm15 =	vge.f32 v6, $5.000000000e-01;
	v8 =	vsub.f32 $1.000000000e+00, v6;
	vm3 =	vmand vm2, vm3  }
0xce: {  	v5 =	vsel vm3, v7, v5;
	vm3 =	vmand vm2, vm15  }
0xcf: {  	v5 =	vmul.f32 v5, v4;
	v6 =	vsel vm3, v8, v6  }
0xd0: {  	v6 =	vmul.f32 v6, v4  }
0xd1: {  	v5 =	vadd.f32 v5, v3  }
0xd2: {  	v6 =	vadd.f32 v6, v3  }
0xd3: {  	vm3 =	vge.f32 v5, $5.000000000e-01;
	v7 =	vsub.f32 $1.000000000e+00, v5  }
0xd4: {  	vm3 =	vmand vm1, vm3;
	vm8 =	vge.f32 v6, $5.000000000e-01;
	v8 =	vsub.f32 $1.000000000e+00, v6  }
0xd5: {  	v5 =	vsel vm3, v7, v5;
	vm3 =	vmand vm1, vm8  }
0xd6: {  	v6 =	vsel vm3, v8, v6;
	v7 =	vperm.xlane v5, v0  }
0xd7: {  	v8 =	vperm.xlane v6, v0  }
0xd8: {  	v6 =	vsel vm0, v7, v6  }
0xd9: {  	v5 =	vsel vm0, v8, v5;
	[tilespmem:s21+$0x40] =	vst v6  }
0xda: {  	[tilespmem:s21+$0xFFFFFFB0] =	vst v5  }
0xdb: {  	v5 =	vld [tilespmem:s19+$0xF0]  }
0xdc: {  	v6 =	vld [tilespmem:s19+$0x160];
	_ =	sdelay $0x3  }
0xdd: {  	v5 =	vmul.f32 v5, v1  }
0xde: {  	v6 =	vmul.f32 v6, v1  }
0xdf: {  	v5 =	vadd.f32 v5, v2  }
0xe0: {  	v6 =	vadd.f32 v6, v2  }
0xe1: {  	vm3 =	vge.f32 v5, $5.000000000e-01;
	v7 =	vsub.f32 $1.000000000e+00, v5  }
0xe2: {  	vm9 =	vge.f32 v6, $5.000000000e-01;
	v8 =	vsub.f32 $1.000000000e+00, v6;
	vm3 =	vmand vm2, vm3  }
0xe3: {  	v5 =	vsel vm3, v7, v5;
	vm3 =	vmand vm2, vm9  }
0xe4: {  	v5 =	vmul.f32 v5, v4;
	v6 =	vsel vm3, v8, v6  }
0xe5: {  	v6 =	vmul.f32 v6, v4  }
0xe6: {  	v5 =	vadd.f32 v5, v3  }
0xe7: {  	v6 =	vadd.f32 v6, v3  }
0xe8: {  	vm3 =	vge.f32 v5, $5.000000000e-01;
	v7 =	vsub.f32 $1.000000000e+00, v5  }
0xe9: {  	vm3 =	vmand vm1, vm3;
	vm10 =	vge.f32 v6, $5.000000000e-01;
	v8 =	vsub.f32 $1.000000000e+00, v6  }
0xea: {  	v5 =	vsel vm3, v7, v5;
	vm3 =	vmand vm1, vm10  }
0xeb: {  	v6 =	vsel vm3, v8, v6;
	v7 =	vperm.xlane v5, v0  }
0xec: {  	v8 =	vperm.xlane v6, v0  }
0xed: {  	v6 =	vsel vm0, v7, v6  }
0xee: {  	v5 =	vsel vm0, v8, v5;
	[tilespmem:s21+$0x30] =	vst v6  }
0xef: {  	[tilespmem:s21+$0xFFFFFFC0] =	vst v5  }
0xf0: {  	v5 =	vld [tilespmem:s19+$0x100]  }
0xf1: {  	v6 =	vld [tilespmem:s19+$0x150];
	_ =	sdelay $0x3  }
0xf2: {  	v5 =	vmul.f32 v5, v1  }
0xf3: {  	v6 =	vmul.f32 v6, v1  }
0xf4: {  	v5 =	vadd.f32 v5, v2  }
0xf5: {  	v6 =	vadd.f32 v6, v2  }
0xf6: {  	vm3 =	vge.f32 v5, $5.000000000e-01;
	v7 =	vsub.f32 $1.000000000e+00, v5  }
0xf7: {  	vm11 =	vge.f32 v6, $5.000000000e-01;
	v8 =	vsub.f32 $1.000000000e+00, v6;
	vm3 =	vmand vm2, vm3  }
0xf8: {  	v5 =	vsel vm3, v7, v5;
	vm3 =	vmand vm2, vm11  }
0xf9: {  	v5 =	vmul.f32 v5, v4;
	v6 =	vsel vm3, v8, v6  }
0xfa: {  	v6 =	vmul.f32 v6, v4  }
0xfb: {  	v5 =	vadd.f32 v5, v3  }
0xfc: {  	v6 =	vadd.f32 v6, v3  }
0xfd: {  	vm3 =	vge.f32 v5, $5.000000000e-01;
	v7 =	vsub.f32 $1.000000000e+00, v5  }
0xfe: {  	vm3 =	vmand vm1, vm3;
	vm12 =	vge.f32 v6, $5.000000000e-01;
	v8 =	vsub.f32 $1.000000000e+00, v6  }
0xff: {  	v5 =	vsel vm3, v7, v5;
	vm3 =	vmand vm1, vm12  }
0x100: {  	v6 =	vsel vm3, v8, v6;
	v7 =	vperm.xlane v5, v0  }
0x101: {  	v8 =	vperm.xlane v6, v0  }
0x102: {  	v6 =	vsel vm0, v7, v6  }
0x103: {  	v5 =	vsel vm0, v8, v5;
	[tilespmem:s21+$0x20] =	vst v6  }
0x104: {  	[tilespmem:s21+$0xFFFFFFD0] =	vst v5  }
0x105: {  	v5 =	vld [tilespmem:s19+$0x110]  }
0x106: {  	v6 =	vld [tilespmem:s19+$0x140];
	_ =	sdelay $0x3  }
0x107: {  	v5 =	vmul.f32 v5, v1  }
0x108: {  	v6 =	vmul.f32 v6, v1  }
0x109: {  	v5 =	vadd.f32 v5, v2  }
0x10a: {  	v6 =	vadd.f32 v6, v2  }
0x10b: {  	vm3 =	vge.f32 v5, $5.000000000e-01;
	v7 =	vsub.f32 $1.000000000e+00, v5  }
0x10c: {  	vm13 =	vge.f32 v6, $5.000000000e-01;
	v8 =	vsub.f32 $1.000000000e+00, v6;
	vm3 =	vmand vm2, vm3  }
0x10d: {  	v5 =	vsel vm3, v7, v5;
	vm3 =	vmand vm2, vm13  }
0x10e: {  	v5 =	vmul.f32 v5, v4;
	v6 =	vsel vm3, v8, v6  }
0x10f: {  	v6 =	vmul.f32 v6, v4  }
0x110: {  	v5 =	vadd.f32 v5, v3  }
0x111: {  	v6 =	vadd.f32 v6, v3  }
0x112: {  	vm3 =	vge.f32 v5, $5.000000000e-01;
	v7 =	vsub.f32 $1.000000000e+00, v5  }
0x113: {  	vm3 =	vmand vm1, vm3;
	vm14 =	vge.f32 v6, $5.000000000e-01;
	v8 =	vsub.f32 $1.000000000e+00, v6  }
0x114: {  	v5 =	vsel vm3, v7, v5;
	vm3 =	vmand vm1, vm14  }
0x115: {  	v6 =	vsel vm3, v8, v6;
	v7 =	vperm.xlane v5, v0  }
0x116: {  	v8 =	vperm.xlane v6, v0  }
0x117: {  	v6 =	vsel vm0, v7, v6  }
0x118: {  	v5 =	vsel vm0, v8, v5;
	[tilespmem:s21+$0x10] =	vst v6  }
0x119: {  	[tilespmem:s21+$0xFFFFFFE0] =	vst v5  }
0x11a: {  	v5 =	vld [tilespmem:s19+$0x120]  }
0x11b: {  	v6 =	vld [tilespmem:s19+$0x130];
	_ =	sdelay $0x3  }
0x11c: {  	v5 =	vmul.f32 v5, v1  }
0x11d: {  	v6 =	vmul.f32 v6, v1  }
0x11e: {  	v5 =	vadd.f32 v5, v2  }
0x11f: {  	v6 =	vadd.f32 v6, v2  }
0x120: {  	vm3 =	vge.f32 v5, $5.000000000e-01  }
0x121: {  	v7 =	vsub.f32 $1.000000000e+00, v5;
	vm15 =	vge.f32 v6, $5.000000000e-01;
	v8 =	vsub.f32 $1.000000000e+00, v6  }
0x122: {  	vm3 =	vmand vm2, vm3;
	vm4 =	vmand vm2, vm15  }
0x123: {  	v5 =	vsel vm3, v7, v5;
	v6 =	vsel vm4, v8, v6  }
0x124: {  	v5 =	vmul.f32 v5, v4;
	v7 =	vmul.f32 v6, v4;
	_ =	sdelay $0x1  }
0x125: {  	s22 =	simm.s32 $0x1;
	s24 =	simm.s32 $0x2;
	s19 =	simm.s32 $0xC610;
	v6 =	vadd.f32 v5, v3;
	v5 =	vadd.f32 v7, v3  }
.LBB2_8:
0x126: {  	p3 =	slt.u32 s22, $0x78;
	s20 =	sadd.s32 $0xFFFFFFFF, s20;
	s25 =	smov.u32 s24  }
0x127: {  	vm3 =	vge.f32 v6, $5.000000000e-01;
	v7 =	vsub.f32 $1.000000000e+00, v6;
	s23 =	sadd.s32 $0x1, s24;
	p2 =	sne.s32 s24, $0xDF;
	s24 =	smov.u32 s22  }
0x128: {  	s26 =	smov.u32 s22;
	s24 =	smov.u32 @p3 s20;
	vm3 =	vmand vm1, vm3;
	vm4 =	vge.f32 v5, $5.000000000e-01;
	v8 =	vsub.f32 $1.000000000e+00, v5  }
0x129: {  	s22 =	smov.u32 s25;
	s26 =	smov.u32 @p0 s24;
	v6 =	vsel vm3, v7, v6;
	vm3 =	vmand vm1, vm4  }
0x12a: {  	s24 =	ssub.s32 $0xDF, s26;
	v5 =	vsel vm3, v8, v5;
	v7 =	vperm.xlane v6, v0  }
0x12b: {  	s26 =	smov.u32 @p1 s24;
	v8 =	vperm.xlane v5, v0  }
0x12c: {  	s24 =	smul.u32 $0x380, s26;
	v5 =	vsel vm0, v7, v5  }
0x12d: {  	v6 =	vsel vm0, v8, v6;
	[tilespmem:s21+$0x0] =	vst v5  }
0x12e: {  	s24 =	sshra.s32 s24, $0x2;
	[tilespmem:s21+$0xFFFFFFF0] =	vst v6;
	s21 =	smov.u32 s19  }
0x12f: {  	v5 =	vld [tilespmem:s24+$0xC0]  }
0x130: {  	v6 =	vld [tilespmem:s24+$0x190];
	_ =	sdelay $0x3  }
0x131: {  	v5 =	vmul.f32 v5, v1  }
0x132: {  	v6 =	vmul.f32 v6, v1  }
0x133: {  	v5 =	vadd.f32 v5, v2  }
0x134: {  	v6 =	vadd.f32 v6, v2  }
0x135: {  	vm3 =	vge.f32 v5, $5.000000000e-01;
	v7 =	vsub.f32 $1.000000000e+00, v5  }
0x136: {  	vm3 =	vmand vm2, vm3;
	vm4 =	vge.f32 v6, $5.000000000e-01;
	v8 =	vsub.f32 $1.000000000e+00, v6  }
0x137: {  	v5 =	vsel vm3, v7, v5;
	vm3 =	vmand vm2, vm4  }
0x138: {  	v5 =	vmul.f32 v5, v4;
	v6 =	vsel vm3, v8, v6  }
0x139: {  	v6 =	vmul.f32 v6, v4  }
0x13a: {  	v5 =	vadd.f32 v5, v3  }
0x13b: {  	v6 =	vadd.f32 v6, v3  }
0x13c: {  	vm3 =	vge.f32 v5, $5.000000000e-01;
	v7 =	vsub.f32 $1.000000000e+00, v5  }
0x13d: {  	vm3 =	vmand vm1, vm3;
	vm4 =	vge.f32 v6, $5.000000000e-01;
	v8 =	vsub.f32 $1.000000000e+00, v6  }
0x13e: {  	v5 =	vsel vm3, v7, v5;
	vm3 =	vmand vm1, vm4  }
0x13f: {  	v6 =	vsel vm3, v8, v6;
	v7 =	vperm.xlane v5, v0  }
0x140: {  	v8 =	vperm.xlane v6, v0  }
0x141: {  	v6 =	vsel vm0, v7, v6  }
0x142: {  	v5 =	vsel vm0, v8, v5;
	[tilespmem:s19+$0x60] =	vst v6  }
0x143: {  	[tilespmem:s19+$0xFFFFFF90] =	vst v5  }
0x144: {  	v5 =	vld [tilespmem:s24+$0xD0]  }
0x145: {  	v6 =	vld [tilespmem:s24+$0x180];
	_ =	sdelay $0x3  }
0x146: {  	v5 =	vmul.f32 v5, v1  }
0x147: {  	v6 =	vmul.f32 v6, v1  }
0x148: {  	v5 =	vadd.f32 v5, v2  }
0x149: {  	v6 =	vadd.f32 v6, v2  }
0x14a: {  	vm3 =	vge.f32 v5, $5.000000000e-01;
	v7 =	vsub.f32 $1.000000000e+00, v5  }
0x14b: {  	vm3 =	vmand vm2, vm3;
	vm4 =	vge.f32 v6, $5.000000000e-01;
	v8 =	vsub.f32 $1.000000000e+00, v6  }
0x14c: {  	v5 =	vsel vm3, v7, v5;
	vm3 =	vmand vm2, vm4  }
0x14d: {  	v5 =	vmul.f32 v5, v4;
	v6 =	vsel vm3, v8, v6  }
0x14e: {  	v6 =	vmul.f32 v6, v4  }
0x14f: {  	v5 =	vadd.f32 v5, v3  }
0x150: {  	v6 =	vadd.f32 v6, v3  }
0x151: {  	vm3 =	vge.f32 v5, $5.000000000e-01;
	v7 =	vsub.f32 $1.000000000e+00, v5  }
0x152: {  	vm3 =	vmand vm1, vm3;
	vm4 =	vge.f32 v6, $5.000000000e-01;
	v8 =	vsub.f32 $1.000000000e+00, v6  }
0x153: {  	v5 =	vsel vm3, v7, v5;
	vm3 =	vmand vm1, vm4  }
0x154: {  	v6 =	vsel vm3, v8, v6;
	v7 =	vperm.xlane v5, v0  }
0x155: {  	v8 =	vperm.xlane v6, v0  }
0x156: {  	v6 =	vsel vm0, v7, v6  }
0x157: {  	v5 =	vsel vm0, v8, v5;
	[tilespmem:s19+$0x50] =	vst v6  }
0x158: {  	[tilespmem:s19+$0xFFFFFFA0] =	vst v5  }
0x159: {  	v5 =	vld [tilespmem:s24+$0xE0]  }
0x15a: {  	v6 =	vld [tilespmem:s24+$0x170];
	_ =	sdelay $0x3  }
0x15b: {  	v5 =	vmul.f32 v5, v1  }
0x15c: {  	v6 =	vmul.f32 v6, v1  }
0x15d: {  	v5 =	vadd.f32 v5, v2  }
0x15e: {  	v6 =	vadd.f32 v6, v2  }
0x15f: {  	vm3 =	vge.f32 v5, $5.000000000e-01;
	v7 =	vsub.f32 $1.000000000e+00, v5  }
0x160: {  	vm3 =	vmand vm2, vm3;
	vm4 =	vge.f32 v6, $5.000000000e-01;
	v8 =	vsub.f32 $1.000000000e+00, v6  }
0x161: {  	v5 =	vsel vm3, v7, v5;
	vm3 =	vmand vm2, vm4  }
0x162: {  	v5 =	vmul.f32 v5, v4;
	v6 =	vsel vm3, v8, v6  }
0x163: {  	v6 =	vmul.f32 v6, v4  }
0x164: {  	v5 =	vadd.f32 v5, v3  }
0x165: {  	v6 =	vadd.f32 v6, v3  }
0x166: {  	vm3 =	vge.f32 v5, $5.000000000e-01;
	v7 =	vsub.f32 $1.000000000e+00, v5  }
0x167: {  	vm3 =	vmand vm1, vm3;
	vm4 =	vge.f32 v6, $5.000000000e-01;
	v8 =	vsub.f32 $1.000000000e+00, v6  }
0x168: {  	v5 =	vsel vm3, v7, v5;
	vm3 =	vmand vm1, vm4  }
0x169: {  	v6 =	vsel vm3, v8, v6;
	v7 =	vperm.xlane v5, v0  }
0x16a: {  	v8 =	vperm.xlane v6, v0  }
0x16b: {  	v6 =	vsel vm0, v7, v6  }
0x16c: {  	v5 =	vsel vm0, v8, v5;
	[tilespmem:s19+$0x40] =	vst v6  }
0x16d: {  	[tilespmem:s19+$0xFFFFFFB0] =	vst v5  }
0x16e: {  	v5 =	vld [tilespmem:s24+$0xF0]  }
0x16f: {  	v6 =	vld [tilespmem:s24+$0x160];
	_ =	sdelay $0x3  }
0x170: {  	v5 =	vmul.f32 v5, v1  }
0x171: {  	v6 =	vmul.f32 v6, v1  }
0x172: {  	v5 =	vadd.f32 v5, v2  }
0x173: {  	v6 =	vadd.f32 v6, v2  }
0x174: {  	vm3 =	vge.f32 v5, $5.000000000e-01;
	v7 =	vsub.f32 $1.000000000e+00, v5  }
0x175: {  	vm3 =	vmand vm2, vm3;
	vm4 =	vge.f32 v6, $5.000000000e-01;
	v8 =	vsub.f32 $1.000000000e+00, v6  }
0x176: {  	v5 =	vsel vm3, v7, v5;
	vm3 =	vmand vm2, vm4  }
0x177: {  	v5 =	vmul.f32 v5, v4;
	v6 =	vsel vm3, v8, v6  }
0x178: {  	v6 =	vmul.f32 v6, v4  }
0x179: {  	v5 =	vadd.f32 v5, v3  }
0x17a: {  	v6 =	vadd.f32 v6, v3  }
0x17b: {  	vm3 =	vge.f32 v5, $5.000000000e-01;
	v7 =	vsub.f32 $1.000000000e+00, v5  }
0x17c: {  	vm3 =	vmand vm1, vm3;
	vm4 =	vge.f32 v6, $5.000000000e-01;
	v8 =	vsub.f32 $1.000000000e+00, v6  }
0x17d: {  	v5 =	vsel vm3, v7, v5;
	vm3 =	vmand vm1, vm4  }
0x17e: {  	v6 =	vsel vm3, v8, v6;
	v7 =	vperm.xlane v5, v0  }
0x17f: {  	v8 =	vperm.xlane v6, v0  }
0x180: {  	v6 =	vsel vm0, v7, v6  }
0x181: {  	v5 =	vsel vm0, v8, v5;
	[tilespmem:s19+$0x30] =	vst v6  }
0x182: {  	[tilespmem:s19+$0xFFFFFFC0] =	vst v5  }
0x183: {  	v5 =	vld [tilespmem:s24+$0x100]  }
0x184: {  	v6 =	vld [tilespmem:s24+$0x150];
	_ =	sdelay $0x3  }
0x185: {  	v5 =	vmul.f32 v5, v1  }
0x186: {  	v6 =	vmul.f32 v6, v1  }
0x187: {  	v5 =	vadd.f32 v5, v2  }
0x188: {  	v6 =	vadd.f32 v6, v2  }
0x189: {  	vm3 =	vge.f32 v5, $5.000000000e-01;
	v7 =	vsub.f32 $1.000000000e+00, v5  }
0x18a: {  	vm3 =	vmand vm2, vm3;
	vm4 =	vge.f32 v6, $5.000000000e-01;
	v8 =	vsub.f32 $1.000000000e+00, v6  }
0x18b: {  	v5 =	vsel vm3, v7, v5;
	vm3 =	vmand vm2, vm4  }
0x18c: {  	v5 =	vmul.f32 v5, v4;
	v6 =	vsel vm3, v8, v6  }
0x18d: {  	v6 =	vmul.f32 v6, v4  }
0x18e: {  	v5 =	vadd.f32 v5, v3  }
0x18f: {  	v6 =	vadd.f32 v6, v3  }
0x190: {  	vm3 =	vge.f32 v5, $5.000000000e-01;
	v7 =	vsub.f32 $1.000000000e+00, v5  }
0x191: {  	vm3 =	vmand vm1, vm3;
	vm4 =	vge.f32 v6, $5.000000000e-01;
	v8 =	vsub.f32 $1.000000000e+00, v6  }
0x192: {  	v5 =	vsel vm3, v7, v5;
	vm3 =	vmand vm1, vm4  }
0x193: {  	v6 =	vsel vm3, v8, v6;
	v7 =	vperm.xlane v5, v0  }
0x194: {  	v8 =	vperm.xlane v6, v0  }
0x195: {  	v6 =	vsel vm0, v7, v6  }
0x196: {  	v5 =	vsel vm0, v8, v5;
	[tilespmem:s19+$0x20] =	vst v6  }
0x197: {  	[tilespmem:s19+$0xFFFFFFD0] =	vst v5  }
0x198: {  	v5 =	vld [tilespmem:s24+$0x110]  }
0x199: {  	v6 =	vld [tilespmem:s24+$0x140];
	_ =	sdelay $0x3  }
0x19a: {  	v5 =	vmul.f32 v5, v1  }
0x19b: {  	v6 =	vmul.f32 v6, v1  }
0x19c: {  	v5 =	vadd.f32 v5, v2  }
0x19d: {  	v6 =	vadd.f32 v6, v2  }
0x19e: {  	vm3 =	vge.f32 v5, $5.000000000e-01;
	v7 =	vsub.f32 $1.000000000e+00, v5  }
0x19f: {  	vm3 =	vmand vm2, vm3;
	vm4 =	vge.f32 v6, $5.000000000e-01;
	v8 =	vsub.f32 $1.000000000e+00, v6  }
0x1a0: {  	v5 =	vsel vm3, v7, v5;
	vm3 =	vmand vm2, vm4  }
0x1a1: {  	v5 =	vmul.f32 v5, v4;
	v6 =	vsel vm3, v8, v6  }
0x1a2: {  	v6 =	vmul.f32 v6, v4  }
0x1a3: {  	v5 =	vadd.f32 v5, v3  }
0x1a4: {  	v6 =	vadd.f32 v6, v3  }
0x1a5: {  	vm3 =	vge.f32 v5, $5.000000000e-01;
	v7 =	vsub.f32 $1.000000000e+00, v5  }
0x1a6: {  	vm3 =	vmand vm1, vm3;
	vm4 =	vge.f32 v6, $5.000000000e-01;
	v8 =	vsub.f32 $1.000000000e+00, v6  }
0x1a7: {  	v5 =	vsel vm3, v7, v5;
	vm3 =	vmand vm1, vm4  }
0x1a8: {  	v6 =	vsel vm3, v8, v6;
	v7 =	vperm.xlane v5, v0  }
0x1a9: {  	v8 =	vperm.xlane v6, v0  }
0x1aa: {  	v6 =	vsel vm0, v7, v6  }
0x1ab: {  	v5 =	vsel vm0, v8, v5;
	[tilespmem:s19+$0x10] =	vst v6  }
0x1ac: {  	[tilespmem:s19+$0xFFFFFFE0] =	vst v5  }
0x1ad: {  	v5 =	vld [tilespmem:s24+$0x120]  }
0x1ae: {  	v6 =	vld [tilespmem:s24+$0x130];
	_ =	sdelay $0x3  }
0x1af: {  	v5 =	vmul.f32 v5, v1  }
0x1b0: {  	v6 =	vmul.f32 v6, v1  }
0x1b1: {  	v5 =	vadd.f32 v5, v2  }
0x1b2: {  	v6 =	vadd.f32 v6, v2  }
0x1b3: {  	vm3 =	vge.f32 v5, $5.000000000e-01;
	v7 =	vsub.f32 $1.000000000e+00, v5  }
0x1b4: {  	vm3 =	vmand vm2, vm3;
	vm4 =	vge.f32 v6, $5.000000000e-01;
	v8 =	vsub.f32 $1.000000000e+00, v6  }
.Ltmp2:
0x1b5: {  	v5 =	vsel vm3, v7, v5;
	vm3 =	vmand vm2, vm4;
	(pc) =	sbr.rel @p2 .LBB2_8-.Ltmp2, $4  }
0x1b6: {  	v5 =	vmul.f32 v5, v4;
	v6 =	vsel vm3, v8, v6  }
0x1b7: {  	v7 =	vmul.f32 v6, v4  }
0x1b8: {  	v6 =	vadd.f32 v5, v3  }
0x1b9: {  	s19 =	sadd.s32 $0xE0, s19;
	s24 =	smov.u32 s23;
	v5 =	vadd.f32 v7, v3  }
0x1ba: {  	p2 =	slt.u32 s22, $0x78;
	vm3 =	vge.f32 v6, $5.000000000e-01;
	v7 =	vsub.f32 $1.000000000e+00, v6;
	s20 =	sadd.s32 $0xFFFFFFFF, s20;
	s23 =	smov.u32 s22  }
0x1bb: {  	s23 =	smov.u32 @p2 s20;
	vm3 =	vmand vm1, vm3;
	vm4 =	vge.f32 v5, $5.000000000e-01;
	v8 =	vsub.f32 $1.000000000e+00, v5  }
0x1bc: {  	s22 =	smov.u32 @p0 s23;
	v6 =	vsel vm3, v7, v6;
	vm3 =	vmand vm1, vm4  }
0x1bd: {  	s20 =	ssub.s32 $0xDF, s22;
	v5 =	vsel vm3, v8, v5;
	v7 =	vperm.xlane v6, v0  }
0x1be: {  	s22 =	smov.u32 @p1 s20;
	v8 =	vperm.xlane v5, v0  }
0x1bf: {  	s20 =	smul.u32 $0x380, s22;
	v5 =	vsel vm0, v7, v5  }
0x1c0: {  	v6 =	vsel vm0, v8, v6;
	[tilespmem:s21+$0x0] =	vst v5  }
0x1c1: {  	s20 =	sshra.s32 s20, $0x2;
	[tilespmem:s21+$0xFFFFFFF0] =	vst v6  }
0x1c2: {  	v5 =	vld [tilespmem:s20+$0xC0]  }
0x1c3: {  	v6 =	vld [tilespmem:s20+$0x190];
	_ =	sdelay $0x3  }
0x1c4: {  	v5 =	vmul.f32 v5, v1  }
0x1c5: {  	v6 =	vmul.f32 v6, v1  }
0x1c6: {  	v5 =	vadd.f32 v5, v2  }
0x1c7: {  	v6 =	vadd.f32 v6, v2  }
0x1c8: {  	vm3 =	vge.f32 v5, $5.000000000e-01;
	v7 =	vsub.f32 $1.000000000e+00, v5  }
0x1c9: {  	vm10 =	vge.f32 v6, $5.000000000e-01;
	v50 =	vsub.f32 $1.000000000e+00, v6;
	vm3 =	vmand vm2, vm3  }
0x1ca: {  	v5 =	vsel vm3, v7, v5;
	vm3 =	vmand vm2, vm10  }
0x1cb: {  	v5 =	vmul.f32 v5, v4;
	v6 =	vsel vm3, v50, v6  }
0x1cc: {  	v6 =	vmul.f32 v6, v4  }
0x1cd: {  	v5 =	vadd.f32 v5, v3  }
0x1ce: {  	v6 =	vadd.f32 v6, v3  }
0x1cf: {  	vm3 =	vge.f32 v5, $5.000000000e-01;
	v7 =	vsub.f32 $1.000000000e+00, v5  }
0x1d0: {  	vm3 =	vmand vm1, vm3;
	vm11 =	vge.f32 v6, $5.000000000e-01;
	v51 =	vsub.f32 $1.000000000e+00, v6  }
0x1d1: {  	v5 =	vsel vm3, v7, v5;
	vm3 =	vmand vm1, vm11  }
0x1d2: {  	v6 =	vsel vm3, v51, v6;
	v7 =	vperm.xlane v5, v0  }
0x1d3: {  	v8 =	vperm.xlane v6, v0  }
0x1d4: {  	v6 =	vsel vm0, v7, v6  }
0x1d5: {  	v5 =	vsel vm0, v8, v5;
	[tilespmem:s19+$0x60] =	vst v6  }
0x1d6: {  	[tilespmem:s19+$0xFFFFFF90] =	vst v5  }
0x1d7: {  	v5 =	vld [tilespmem:s20+$0xD0]  }
0x1d8: {  	v6 =	vld [tilespmem:s20+$0x180];
	_ =	sdelay $0x3  }
0x1d9: {  	v5 =	vmul.f32 v5, v1  }
0x1da: {  	v6 =	vmul.f32 v6, v1  }
0x1db: {  	v5 =	vadd.f32 v5, v2  }
0x1dc: {  	v6 =	vadd.f32 v6, v2  }
0x1dd: {  	vm3 =	vge.f32 v5, $5.000000000e-01;
	v7 =	vsub.f32 $1.000000000e+00, v5  }
0x1de: {  	vm12 =	vge.f32 v6, $5.000000000e-01;
	v52 =	vsub.f32 $1.000000000e+00, v6;
	vm3 =	vmand vm2, vm3  }
0x1df: {  	v5 =	vsel vm3, v7, v5;
	vm3 =	vmand vm2, vm12  }
0x1e0: {  	v5 =	vmul.f32 v5, v4;
	v6 =	vsel vm3, v52, v6  }
0x1e1: {  	v6 =	vmul.f32 v6, v4  }
0x1e2: {  	v5 =	vadd.f32 v5, v3  }
0x1e3: {  	v6 =	vadd.f32 v6, v3  }
0x1e4: {  	vm3 =	vge.f32 v5, $5.000000000e-01;
	v7 =	vsub.f32 $1.000000000e+00, v5  }
0x1e5: {  	vm3 =	vmand vm1, vm3;
	vm13 =	vge.f32 v6, $5.000000000e-01;
	v53 =	vsub.f32 $1.000000000e+00, v6  }
0x1e6: {  	v5 =	vsel vm3, v7, v5;
	vm3 =	vmand vm1, vm13  }
0x1e7: {  	v6 =	vsel vm3, v53, v6;
	v7 =	vperm.xlane v5, v0  }
0x1e8: {  	v8 =	vperm.xlane v6, v0  }
0x1e9: {  	v6 =	vsel vm0, v7, v6  }
0x1ea: {  	v5 =	vsel vm0, v8, v5;
	[tilespmem:s19+$0x50] =	vst v6  }
0x1eb: {  	[tilespmem:s19+$0xFFFFFFA0] =	vst v5  }
0x1ec: {  	v5 =	vld [tilespmem:s20+$0xE0]  }
0x1ed: {  	v6 =	vld [tilespmem:s20+$0x170];
	_ =	sdelay $0x3  }
0x1ee: {  	v5 =	vmul.f32 v5, v1  }
0x1ef: {  	v6 =	vmul.f32 v6, v1  }
0x1f0: {  	v5 =	vadd.f32 v5, v2  }
0x1f1: {  	v6 =	vadd.f32 v6, v2  }
0x1f2: {  	vm3 =	vge.f32 v5, $5.000000000e-01;
	v7 =	vsub.f32 $1.000000000e+00, v5  }
0x1f3: {  	vm14 =	vge.f32 v6, $5.000000000e-01;
	v54 =	vsub.f32 $1.000000000e+00, v6;
	vm3 =	vmand vm2, vm3  }
0x1f4: {  	v5 =	vsel vm3, v7, v5;
	vm3 =	vmand vm2, vm14  }
0x1f5: {  	v5 =	vmul.f32 v5, v4;
	v6 =	vsel vm3, v54, v6  }
0x1f6: {  	v6 =	vmul.f32 v6, v4  }
0x1f7: {  	v5 =	vadd.f32 v5, v3  }
0x1f8: {  	v6 =	vadd.f32 v6, v3  }
0x1f9: {  	vm3 =	vge.f32 v5, $5.000000000e-01;
	v7 =	vsub.f32 $1.000000000e+00, v5  }
0x1fa: {  	vm3 =	vmand vm1, vm3;
	vm15 =	vge.f32 v6, $5.000000000e-01;
	v55 =	vsub.f32 $1.000000000e+00, v6  }
0x1fb: {  	v5 =	vsel vm3, v7, v5;
	vm3 =	vmand vm1, vm15  }
0x1fc: {  	v6 =	vsel vm3, v55, v6;
	v7 =	vperm.xlane v5, v0  }
0x1fd: {  	v8 =	vperm.xlane v6, v0  }
0x1fe: {  	v6 =	vsel vm0, v7, v6  }
0x1ff: {  	v5 =	vsel vm0, v8, v5;
	[tilespmem:s19+$0x40] =	vst v6  }
0x200: {  	[tilespmem:s19+$0xFFFFFFB0] =	vst v5  }
0x201: {  	v5 =	vld [tilespmem:s20+$0xF0]  }
0x202: {  	v6 =	vld [tilespmem:s20+$0x160];
	_ =	sdelay $0x3  }
0x203: {  	v5 =	vmul.f32 v5, v1  }
0x204: {  	v6 =	vmul.f32 v6, v1  }
0x205: {  	v5 =	vadd.f32 v5, v2  }
0x206: {  	v6 =	vadd.f32 v6, v2  }
0x207: {  	vm3 =	vge.f32 v5, $5.000000000e-01;
	v7 =	vsub.f32 $1.000000000e+00, v5  }
0x208: {  	vm8 =	vge.f32 v6, $5.000000000e-01;
	v56 =	vsub.f32 $1.000000000e+00, v6;
	vm3 =	vmand vm2, vm3  }
0x209: {  	v5 =	vsel vm3, v7, v5;
	vm3 =	vmand vm2, vm8  }
0x20a: {  	v5 =	vmul.f32 v5, v4;
	v6 =	vsel vm3, v56, v6  }
0x20b: {  	v6 =	vmul.f32 v6, v4  }
0x20c: {  	v5 =	vadd.f32 v5, v3  }
0x20d: {  	v6 =	vadd.f32 v6, v3  }
0x20e: {  	vm3 =	vge.f32 v5, $5.000000000e-01;
	v7 =	vsub.f32 $1.000000000e+00, v5  }
0x20f: {  	vm3 =	vmand vm1, vm3;
	vm9 =	vge.f32 v6, $5.000000000e-01;
	v57 =	vsub.f32 $1.000000000e+00, v6  }
0x210: {  	v5 =	vsel vm3, v7, v5;
	vm3 =	vmand vm1, vm9  }
0x211: {  	v6 =	vsel vm3, v57, v6;
	v7 =	vperm.xlane v5, v0  }
0x212: {  	v8 =	vperm.xlane v6, v0  }
0x213: {  	v6 =	vsel vm0, v7, v6  }
0x214: {  	v5 =	vsel vm0, v8, v5;
	[tilespmem:s19+$0x30] =	vst v6  }
0x215: {  	[tilespmem:s19+$0xFFFFFFC0] =	vst v5  }
0x216: {  	v5 =	vld [tilespmem:s20+$0x100]  }
0x217: {  	v6 =	vld [tilespmem:s20+$0x150];
	_ =	sdelay $0x3  }
0x218: {  	v5 =	vmul.f32 v5, v1  }
0x219: {  	v6 =	vmul.f32 v6, v1  }
0x21a: {  	v5 =	vadd.f32 v5, v2  }
0x21b: {  	v6 =	vadd.f32 v6, v2  }
0x21c: {  	vm3 =	vge.f32 v5, $5.000000000e-01;
	v7 =	vsub.f32 $1.000000000e+00, v5  }
0x21d: {  	vm10 =	vge.f32 v6, $5.000000000e-01;
	v58 =	vsub.f32 $1.000000000e+00, v6;
	vm3 =	vmand vm2, vm3  }
0x21e: {  	v5 =	vsel vm3, v7, v5;
	vm3 =	vmand vm2, vm10  }
0x21f: {  	v5 =	vmul.f32 v5, v4;
	v6 =	vsel vm3, v58, v6  }
0x220: {  	v6 =	vmul.f32 v6, v4  }
0x221: {  	v5 =	vadd.f32 v5, v3  }
0x222: {  	v6 =	vadd.f32 v6, v3  }
0x223: {  	vm3 =	vge.f32 v5, $5.000000000e-01;
	v7 =	vsub.f32 $1.000000000e+00, v5  }
0x224: {  	vm3 =	vmand vm1, vm3;
	vm11 =	vge.f32 v6, $5.000000000e-01;
	v59 =	vsub.f32 $1.000000000e+00, v6  }
0x225: {  	v5 =	vsel vm3, v7, v5;
	vm3 =	vmand vm1, vm11  }
0x226: {  	v6 =	vsel vm3, v59, v6;
	v7 =	vperm.xlane v5, v0  }
0x227: {  	v8 =	vperm.xlane v6, v0  }
0x228: {  	v6 =	vsel vm0, v7, v6  }
0x229: {  	v5 =	vsel vm0, v8, v5;
	[tilespmem:s19+$0x20] =	vst v6  }
0x22a: {  	[tilespmem:s19+$0xFFFFFFD0] =	vst v5  }
0x22b: {  	v5 =	vld [tilespmem:s20+$0x110]  }
0x22c: {  	v6 =	vld [tilespmem:s20+$0x140];
	_ =	sdelay $0x3  }
0x22d: {  	v5 =	vmul.f32 v5, v1  }
0x22e: {  	v6 =	vmul.f32 v6, v1  }
0x22f: {  	v5 =	vadd.f32 v5, v2  }
0x230: {  	v6 =	vadd.f32 v6, v2  }
0x231: {  	vm3 =	vge.f32 v5, $5.000000000e-01;
	v7 =	vsub.f32 $1.000000000e+00, v5  }
0x232: {  	vm12 =	vge.f32 v6, $5.000000000e-01;
	v60 =	vsub.f32 $1.000000000e+00, v6;
	vm3 =	vmand vm2, vm3  }
0x233: {  	v5 =	vsel vm3, v7, v5;
	vm3 =	vmand vm2, vm12  }
0x234: {  	v5 =	vmul.f32 v5, v4;
	v6 =	vsel vm3, v60, v6  }
0x235: {  	v6 =	vmul.f32 v6, v4  }
0x236: {  	v5 =	vadd.f32 v5, v3  }
0x237: {  	v6 =	vadd.f32 v6, v3  }
0x238: {  	vm3 =	vge.f32 v5, $5.000000000e-01;
	v7 =	vsub.f32 $1.000000000e+00, v5  }
0x239: {  	vm3 =	vmand vm1, vm3;
	vm13 =	vge.f32 v6, $5.000000000e-01;
	v61 =	vsub.f32 $1.000000000e+00, v6  }
0x23a: {  	v5 =	vsel vm3, v7, v5;
	vm3 =	vmand vm1, vm13  }
0x23b: {  	v6 =	vsel vm3, v61, v6;
	v7 =	vperm.xlane v5, v0  }
0x23c: {  	v8 =	vperm.xlane v6, v0  }
0x23d: {  	v6 =	vsel vm0, v7, v6  }
0x23e: {  	v5 =	vsel vm0, v8, v5;
	[tilespmem:s19+$0x10] =	vst v6  }
0x23f: {  	[tilespmem:s19+$0xFFFFFFE0] =	vst v5  }
0x240: {  	v5 =	vld [tilespmem:s20+$0x120]  }
0x241: {  	v6 =	vld [tilespmem:s20+$0x130];
	_ =	sdelay $0x3  }
0x242: {  	v5 =	vmul.f32 v5, v1  }
0x243: {  	v6 =	vmul.f32 v6, v1  }
0x244: {  	v5 =	vadd.f32 v5, v2  }
0x245: {  	v6 =	vadd.f32 v6, v2  }
0x246: {  	vm3 =	vge.f32 v5, $5.000000000e-01;
	v7 =	vsub.f32 $1.000000000e+00, v5  }
0x247: {  	vm14 =	vge.f32 v6, $5.000000000e-01;
	v62 =	vsub.f32 $1.000000000e+00, v6;
	vm3 =	vmand vm2, vm3  }
0x248: {  	v5 =	vsel vm3, v7, v5;
	vm3 =	vmand vm2, vm14  }
0x249: {  	v5 =	vmul.f32 v5, v4;
	v6 =	vsel vm3, v62, v6  }
0x24a: {  	v6 =	vmul.f32 v6, v4  }
0x24b: {  	v5 =	vadd.f32 v5, v3  }
0x24c: {  	v6 =	vadd.f32 v6, v3  }
0x24d: {  	vm3 =	vge.f32 v5, $5.000000000e-01;
	v7 =	vsub.f32 $1.000000000e+00, v5  }
0x24e: {  	vm3 =	vmand vm1, vm3;
	vm15 =	vge.f32 v6, $5.000000000e-01;
	v63 =	vsub.f32 $1.000000000e+00, v6  }
0x24f: {  	v5 =	vsel vm3, v7, v5;
	vm3 =	vmand vm1, vm15  }
0x250: {  	v6 =	vsel vm3, v63, v6;
	v7 =	vperm.xlane v5, v0  }
0x251: {  	v8 =	vperm.xlane v6, v0  }
0x252: {  	s17 =	sadd.s32 $0x1, s17;
	v6 =	vsel vm0, v7, v6  }
0x253: {  	p2 =	sne.s32 s17, $0x3;
	v5 =	vsel vm0, v8, v5;
	[tilespmem:s19+$0x0] =	vst v6  }
.Ltmp3:
0x254: {  	s18 =	sadd.s32 s5, s18;
	[tilespmem:s19+$0xFFFFFFF0] =	vst v5;
	(pc) =	sbr.rel @p2 .LBB2_7-.Ltmp3, $4  }
0x255: {  	[hbm4b:s18+s2] =	stream.linear.scatter [tilespmem:s11], [sflag:$0x2], $0xC400, $0x38;
	[tilespmem:$0x188C0] =	vst v63  }
0x256: {  	_ =	swait.ge [sflag:s12], $0xC400  }
0x257: {  	[sflag:s12] =	ssyncset.done $0x0  }
0x258: {  	[sflag:s12] =	ssyncadd.s32 $0xFFFF3C00  }
0x259: {  	s14 =	sadd.s32 $0x1, s14  }
0x25a: {  	p0 =	sne.s32 s14, $0x8  }
.Ltmp4:
0x25b: {  	_ = 	snop;
	(pc) =	sbr.rel @p0 .LBB2_2-.Ltmp4, $1  }
0x25c: {  	_ =	sdelay $0x3  }
0x25d: {  	s13 =	sadd.s32 $0x1, s13  }
0x25e: {  	p0 =	sne.s32 s13, s7  }
.Ltmp5:
0x25f: {  	_ = 	snop;
	(pc) =	sbr.rel @p0 .LBB2_1-.Ltmp5, $1  }
0x260: {  	_ =	sdelay $0x3  }
0x261: {  	_ =	sfence.sel $0x180000  }
0x262: {  	[bflag:$0x0] =	sbarrier.arrive $0xFFFF  }
0x263: {  	p0 =	sne.s32 s3, $0x0;
	_ =	strace $0x90000047  }
0x264: {  	s0 =	sadd.s32 @!p0 $0x100000, s0;
	[bflag:$0x2] =	sbarrier.arrive $0xFFFF  }
0x265: {  	[sflag:s0] =	ssyncadd.tile.s32 @!p0 $0x1;
	_ =	shalt  }
.Lfunc_end2:
_tile_overlayer_lowered:
.L_overlay_start_2:
0x266: {  	(tag) =	ssettag $0x2  }
0x267: {  	s0 =	rddreg [dreg:$0x0];
	s2 =	stileid.u32  }
0x268: {  	s1 =	rddreg [dreg:$0x1];
	p0 =	sne.s32 s2, $0x0  }
0x269: {  	s3 =	rddreg [dreg:$0x2];
	[bflag:$0x3] =	sbarrier.arrive $0xFFFF;
	s2 =	simm.s32 @!p0 $0x1C03  }
0x26a: {  	[timem:s3], [sflag:s2] =	dma.local @!p0 [hbm:s0], s1  }
0x26b: {  	s0 =	simm.s32 @!p0 $0x3  }
0x26c: {  	_ =	swait.ge @!p0 [sflag:s0], s1  }
0x26d: {  	s1 =	ssub.s32 @!p0 $0x0, s1;
	[sflag:s0] =	ssyncset.done @!p0 $0x0  }
0x26e: {  	[sflag:s0] =	ssyncadd.s32 @!p0 s1  }
0x26f: {  	[bflag:$0x3] =	sbarrier.arrive $0xFFFF  }
0x270: {  	_ =	shalt  }

// kernel: sparse-core-data-format-call.cloned.1.call-start
scs
called_computation_lowered:
.L_overlay_start_0:
0x0: {  	s2 =	sld [smem:$0x3FD9]  }
0x1: {  	s3 =	sld [smem:$0x3FFE];
	_ =	sdelay $0x1  }
0x2: {  	s1 =	srdreg.scid  }
0x3: {  	s0 =	sand.u32 $0x1, s1  }
0x4: {  	s18 =	sshll.u32 s0, $0xA;
	s2 =	sadd.s32 s3, s2  }
0x5: {  	s2 =	sadd.s32 s2, s18  }
0x6: {  	[smem:$0x3FC6] =	sst s2  }
0x7: {  	_ = 	snop  }
0x8: {  	s2 =	sld [smem:$0x3FD0];
	(tm) =	ssettm $0x1  }
0x9: {  	s19 =	sld [smem:$0x3FFB];
	_ =	sdelay $0x3  }
0xa: {  	_ =	strace s19  }
0xb: {  	s3 =	sld [smem:$0x3FFC];
	_ =	sdelay $0x3  }
0xc: {  	_ =	strace s3  }
0xd: {  	s3 =	sld [smem:$0x3FFD];
	_ =	sdelay $0x3  }
0xe: {  	_ =	strace s3  }
0xf: {  	_ =	strace $0x8FFFFFFF  }
0x10: {  	s20 =	sld [smem:$0x3FDB];
	_ =	sdelay $0x1  }
0x11: {  	s4 =	simm.s32 $_scs_section_size  }
0x12: {  	s5 =	simm.s32 $_size__tile_overlayer_lowered;
	s6 =	simm.s32 $_tile_overlayer_lowered  }
0x13: {  	s23 =	simm.s32 $0x1BFF;
	s22 =	sshll.u32 s6, $0x1;
	s3 =	sadd.s32 s4, s20  }
0x14: {  	s7 =	simm.s32 $0x0;
	s21 =	sshll.u32 s5, $0x1;
	s5 =	sadd.s32 s22, s3  }
0x15: {  	[timem:s7], [sflag:s23] =	dma.local [hbm:s5], s21  }
0x16: {  	_ =	swait.ge [sflag:s23], s21  }
0x17: {  	s4 =	ssub.s32 $0x0, s21;
	[sflag:s23] =	ssyncset.done $0x0  }
0x18: {  	[sflag:s23] =	ssyncadd.s32 s4;
	_ =	sdelay $0x1  }
0x19: {  	s24 =	simm.s32 $0x1B8B  }
0x1a: {  	_ =	swait.ge [sflag:s24], $0x1  }
0x1b: {  	[sflag:s24] =	ssyncset.done $0x0  }
0x1c: {  	s26 =	simm.s32 $0x1B8E;
	s25 =	sld [smem:$0x3FFE];
	[sflag:s24] =	ssyncadd.s32 $0xFFFFFFFF  }
0x1d: {  	s27 =	simm.s32 $execute0_lowered;
	[smem:$0x3FD2] =	sst s26  }
0x1e: {  	s5 =	sshll.u32 s27, $0x1;
	_ =	strace $0x80000049;
	[dreg:$0x1] =	wrdreg $0xFFFFFFFF  }
0x1f: {  	s28 =	simm.s32 $_size_execute0_lowered;
	s3 =	sadd.s32 s3, s5;
	[dreg:$0x0] =	wrdreg $0x0  }
0x20: {  	s5 =	sshll.u32 s28, $0x1;
	[dreg:$0x2] =	wrdreg s3  }
0x21: {  	[dreg:$0x3] =	wrdreg s5  }
0x22: {  	[dreg:$0x4] =	wrdreg $0xC0  }
0x23: {  	_ =	task [dreg:s7], $0x5FFFF  }
0x24: {  	[dreg:$0x1] =	wrdreg $0xFFFFFFFF  }
0x25: {  	[dreg:$0x0] =	wrdreg $0x60  }
0x26: {  	[dreg:$0x2] =	wrdreg s25  }
0x27: {  	[dreg:$0x3] =	wrdreg s2  }
0x28: {  	[dreg:$0x4] =	wrdreg $0x9  }
0x29: {  	_ =	task.clear_ibuf [dreg:s7], $0x5FFFF;
	_ =	strace $0x90000049  }
0x2a: {  	s29 =	simm.s32 $0x9;
	_ =	strace $0x8000004B  }
0x2b: {  	_ =	swait.ge [sflag:s29], $0x1  }
0x2c: {  	[sflag:s29] =	ssyncadd.s32 $0xFFFFFFFF  }
0x2d: {  	_ =	strace $0x9000004B  }
0x2e: {  	_ =	sfence  }
0x2f: {  	s30 =	sld [smem:$0x0];
	_ =	sdelay $0x2  }
0x30: {  	s31 =	sshll.u32 s1, $0xD;
	s1 =	sshrl.u32 s1, $0x2  }
0x31: {  	s3 =	sand.u32 $0x4000, s31;
	s1 =	sadd.s32 s1, s30  }
0x32: {  	s0 =	sor.u32 s3, s0;
	s1 =	sshll.u32 s1, $0x11  }
0x33: {  	s0 =	sor.u32 s1, s0  }
0x34: {  	s0 =	sadd.s32 $0x8F2B, s0  }
0x35: {  	[sflag:s0] =	ssyncadd.remote.s32 $0x1  }
0x36: {  	_ =	sfence.sel $0xFFFF  }
0x37: {  	[dreg:$0x0] =	wrdreg $0xFFFFFFFF;
	(pc) =	sbr.abs _section_cstart, $3  }
0x38: {  	[dreg:$0x1] =	wrdreg $0xFFFFFFFF  }
0x39: {  	_ =	task.clear_ibuf [dreg:s7], $0x2FFFF;
	_ =	strace $0x9FFFFFFF  }
0x3a: {  	(tm) =	ssettm $0x7FFFFFFF  }
0x3b: {  	_ =	shalt  }
tec
execute0_lowered:
.L_overlay_start_1:
0x0: {  	(tag) =	ssettag $0x1  }
0x1: {  	s5 =	rddreg [dreg:$0x0]  }
0x2: {  	s0 =	srdreg.scid;
	s3 =	rddreg [dreg:$0x1];
	s7 =	simm.s32 $0x1  }
0x3: {  	s8 =	simm.s32 $0x2;
	s15 =	simm.s32 $0x0;
	s1 =	sshll.u32 s0, $0x4  }
0x4: {  	s14 =	simm.s32 $0x0;
	s0 =	stileid.u32;
	s1 =	sand.u32 $0x10, s1  }
0x5: {  	s9 =	simm.s32 $0x0;
	s10 =	simm.s32 $0x0;
	s1 =	sor.u32 s0, s1  }
0x6: {  	s11 =	simm.s32 $0x0;
	s13 =	simm.s32 $0x0;
	s2 =	sshll.u32 s1, $0x7  }
0x7: {  	s5 =	sadd.s32 $0x49A200, s5;
	s1 =	rddreg [dreg:$0x2];
	s6 =	ssub.s32 $0x2A000, s2  }
.Ltmp0:
0x8: {  	_ =	strace $0x8000004A;
	s4 =	sand.u32 $0xF80, s6;
	(pc) =	sbr.rel .LBB1_1-.Ltmp0, $4  }
0x9: {  	s12 =	smov.u32 s2;
	p0 =	sne.s32 s4, $0x0;
	s4 =	simm.s32 $0x1  }
0xa: {  	s6 =	sshrl.u32 s6, $0xC;
	s7 =	simm.s32 @!p0 $0x0;
	[sflag:s4] =	ssyncpa.u1 $0x0  }
0xb: {  	p0 =	por $0x0, $0x0;
	s7 =	sadd.s32 s7, s6;
	[sflag:s8] =	ssyncpa.u1 $0x0  }
0xc: {  	s8 =	simm.s32 $0x150000;
	s6 =	sshll.u32 s7, $0x1;
	s7 =	sshllo.u32 s7, $0x1  }
.LBB1_4:
0xd: {  	s21 =	sshrl.u32 s9, $0x3;
	s22 =	sshll.u32 s10, $0x3;
	s20 =	sshra.s32 s20, $0x2  }
0xe: {  	s29 =	sshll.u32 s9, $0x7;
	s23 =	sand.u32 $0x7F, s10;
	s21 =	smul.u32 $0x150000, s21  }
0xf: {  	p1 =	sgt.s32 s9, $0x60;
	s24 =	smov.u32 s9;
	s22 =	sand.u32 $0xFFFFFC00, s22  }
0x10: {  	s25 =	sshra.s32 s9, $0x1F;
	s26 =	smov.u32 s10;
	s21 =	sadd.s32 s22, s21  }
0x11: {  	s27 =	sshra.s32 s10, $0x1F;
	s19 =	sadd.s32 s20, s19;
	s22 =	sshrl.u32 s21, $0xD  }
0x12: {  	v5 =	vld [tilespmem:s17+$0xFFFFFFD0];
	[tilespmem:s18+$0x2040 ss:$0x81] =	vst.msk $0xffff, v4;
	s20 =	sand.u32 $0x380, s29;
	s24 =	simm.s32 @!p1 $0x60;
	s22 =	smulhi.u32 $0xC30C30D, s22  }
0x13: {  	v58 =	vld [tilespmem:s17+$0xFFFFFFE0];
	[tilespmem:s18+$0x2850 ss:$0x81] =	vst.msk $0xffff, v3;
	p1 =	sgt.s32 s10, $0x29F80;
	s25 =	sand.u32 s25, s9;
	s27 =	sand.u32 s27, s10  }
0x14: {  	v59 =	vld [tilespmem:s17+$0xFFFFFFF0];
	[tilespmem:s18+$0x3060 ss:$0x81] =	vst.msk $0xffff, v2;
	s20 =	sor.u32 s23, s20;
	s26 =	simm.s32 @!p1 $0x29F80;
	s30 =	smul.u32 $0x4925, s22  }
0x15: {  	[tilespmem:s18+$0x0 ss:$0x81] =	vst.msk $0xffff, v1;
	v60 =	vld [tilespmem:s17+$0x0];
	s26 =	ssub.s32 s26, s27;
	s31 =	sor.u32 s21, s20;
	s21 =	ssub.s32 s24, s25  }
0x16: {  	v61 =	vld [tilespmem:s17+$0x10];
	[tilespmem:s19+$0x3870 ss:$0x81] =	vst.msk $0xffff, v0;
	s27 =	sadd.s32 $0xFFFD6080, s26;
	s24 =	sadd.s32 $0xFFFFFFA0, s21;
	s23 =	sshrl.u32 s30, $0x16  }
0x17: {  	v62 =	vld [tilespmem:s17+$0x20];
	p2 =	sgt.s32 s27, $0x7F;
	[tilespmem:s19+$0x810 ss:$0x81] =	vst.msk $0xffff, v5;
	s20 =	ssub.s32 $0xE0, s21;
	s23 =	smul.u32 $0xE0, s23  }
0x18: {  	v63 =	vld [tilespmem:s17+$0xFFFFFFC0];
	[tilespmem:s19+$0x1020 ss:$0x81] =	vst.msk $0xffff, v58;
	s21 =	ssub.s32 $0x2A000, s26;
	p1 =	sgt.s32 s24, $0x7F;
	s28 =	smul.u32 $0x2A000, s22  }
0x19: {  	[tilespmem:s19+$0x1830 ss:$0x81] =	vst.msk $0xffff, v59;
	s21 =	simm.s32 @p2 $0x0;
	s20 =	simm.s32 @p1 $0x0;
	s22 =	ssub.s32 s22, s23  }
0x1a: {  	[tilespmem:s19+$0x2040 ss:$0x81] =	vst.msk $0xffff, v60;
	s20 =	smul.u32 s21, s20;
	s17 =	ssub.s32 s31, s28;
	s29 =	sand.u32 $0xFFFF, s22  }
0x1b: {  	[tilespmem:s19+$0x2850 ss:$0x81] =	vst.msk $0xffff, v61;
	s30 =	sshrl.u32 s17, $0x3;
	s17 =	sand.u32 $0x7, s17;
	s18 =	smul.u32 $0x5400, s29  }
0x1c: {  	[tilespmem:s19+$0x3060 ss:$0x81] =	vst.msk $0xffff, v62;
	s21 =	sadd.s32 s3, s30;
	s17 =	sshll.u32 s17, $0x12  }
0x1d: {  	[tilespmem:s19+$0x0 ss:$0x81] =	vst.msk $0xffff, v63;
	s31 =	sand.u32 $0x3FFFFFFF, s20;
	s17 =	sor.u32 $0x400, s17;
	s18 =	sadd.s32 s18, s21  }
0x1e: {  	[hbm4b:s18+s17] =	stream.strided.scatter [tilespmem:s16], [sflag:$0x2], s31, s8, s17, $0x20;
	[tilespmem:$0x10100] =	vst v63  }
.LBB1_5:
0x1f: {  	p1 =	slt.u32 s13, $0x2  }
0x20: {  	s17 =	smov.u32 s15;
	p2 =	sgt.s32 @!p1 s15, $0x60;
	s16 =	sshra.s32 @!p1 s15, $0x1F  }
0x21: {  	p3 =	sgt.s32 @!p1 s14, $0x29F80;
	s18 =	sshra.s32 @!p1 s14, $0x1F;
	p2 =	por !p2, p1  }
0x22: {  	s15 =	sand.u32 @!p1 s16, s15;
	p3 =	por !p3, p1;
	s16 =	smov.u32 s14  }
0x23: {  	s14 =	sand.u32 @!p1 s18, s14;
	s17 =	simm.s32 @p2 $0x60;
	s16 =	simm.s32 @p3 $0x29F80  }
0x24: {  	s15 =	ssub.s32 @!p1 s17, s15;
	s14 =	ssub.s32 @!p1 s16, s14  }
0x25: {  	s18 =	smov.u32 s12;
	s16 =	sadd.s32 @!p1 $0xFFFFFFA0, s15;
	s17 =	sadd.s32 @!p1 $0xFFFD6080, s14  }
0x26: {  	s15 =	ssub.s32 @!p1 $0xE0, s15;
	p2 =	sgt.s32 @!p1 s16, $0x7F;
	p3 =	sgt.s32 @!p1 s17, $0x7F  }
0x27: {  	s14 =	ssub.s32 @!p1 $0x2A000, s14;
	p2 =	por !p2, p1;
	p3 =	por !p3, p1  }
0x28: {  	s16 =	sadd.s32 $0x80, s11;
	s15 =	simm.s32 @!p2 $0x0;
	s14 =	simm.s32 @!p3 $0x0  }
0x29: {  	p2 =	sgt.s32 s16, $0xDF;
	s14 =	smul.u32 @!p1 s14, s15;
	s15 =	sadd.s32 $0x1000, s12  }
0x2a: {  	s18 =	smov.u32 @p2 s15  }
0x2b: {  	s16 =	simm.s32 @p2 $0x0;
	p2 =	sgt.s32 s18, $0x29FFF  }
0x2c: {  	s18 =	smov.u32 @p2 s2;
	p2 =	sne.s32 s13, s7  }
.Ltmp1:
0x2d: {  	p0 =	por !p0, !p0;
	s17 =	simm.s32 @!p1 $0x2;
	(pc) =	sbr.rel @!p2 .LBB1_6-.Ltmp1, $4  }
0x2e: {  	s15 =	smov.u32 s9;
	s9 =	smov.u32 s11;
	s14 =	sand.u32 @!p1 $0x3FFFFFFF, s14  }
0x2f: {  	s11 =	smov.u32 s16;
	_ =	swait.ge @!p1 [sflag:s17], s14;
	s19 =	ssub.s32 @!p1 $0x0, s14  }
0x30: {  	s14 =	smov.u32 s10;
	s13 =	sadd.s32 $0x1, s13;
	[sflag:s17] =	ssyncset.done @!p1 $0x0  }
0x31: {  	s10 =	smov.u32 s12;
	s12 =	smov.u32 s18;
	[sflag:s17] =	ssyncadd.s32 @!p1 s19  }
.LBB1_1:
0x32: {  	p1 =	sge.u32 s13, s6  }
0x33: {  	s16 =	sshll.u32 @!p1 s12, $0x8;
	s17 =	sshll.u32 @!p1 s11, $0x3  }
0x34: {  	s18 =	sshll.u32 @!p1 s12, $0x7;
	s16 =	sand.u32 @!p1 $0xFFFFF800, s16;
	s17 =	sand.u32 @!p1 $0xFFFFFC00, s17  }
0x35: {  	s16 =	sadd.s32 @!p1 s16, s17;
	s17 =	sand.u32 @!p1 $0x300, s18  }
0x36: {  	s16 =	sor.u32 @!p1 s17, s16  }
0x37: {  	s16 =	sshrl.u32 @!p1 s16, $0x8  }
0x38: {  	s17 =	smulhi.u32 @!p1 $0xC30C31, s16;
	_ =	sdelay $0x1  }
0x39: {  	s19 =	sxor.u32 @!p1 $0xFFFFFFFF, s13;
	s20 =	sand.u32 @!p1 $0x78, s11;
	s17 =	sshrl.u32 @!p1 s17, $0x9  }
0x3a: {  	s19 =	sshll.u32 @!p1 s19, $0xE;
	s18 =	sand.u32 @!p1 $0x80, s18;
	s17 =	smul.u32 @!p1 $0x2A000, s17  }
0x3b: {  	s31 =	sadd.s32 $0xFFFFFFFF, s13;
	s19 =	sand.u32 @!p1 $0x4000, s19;
	s18 =	sor.u32 @!p1 s20, s18  }
0x3c: {  	s16 =	ssub.s32 @!p1 s16, s17;
	s17 =	sshrl.u32 @!p1 s18, $0x3;
	s18 =	sand.u32 @!p1 $0x7, s11  }
0x3d: {  	s16 =	sshll.u32 @!p1 s16, $0x5;
	s17 =	sadd.s32 @!p1 s5, s17;
	s18 =	sshll.u32 @!p1 s18, $0x12  }
0x3e: {  	s16 =	sadd.s32 @!p1 s16, s17;
	s17 =	sor.u32 @!p1 $0x400, s18;
	s18 =	simm.s32 @!p1 $0x800  }
0x3f: {  	[tilespmem:s19], [sflag:$0x1] =	stream.strided.gather @!p1 [hbm4b:s16+s17], $0x4000, s18, s17, $0x38;
	[tilespmem:$0x10100] =	vst v63  }
0x40: {  	p1 =	sge.u32 s31, s6  }
.Ltmp2:
0x41: {  	_ = 	snop;
	(pc) =	sbr.rel @p1 .LBB1_5-.Ltmp2, $1  }
0x42: {  	_ =	sdelay $0x3  }
0x43: {  	s16 =	simm.s32 $0x1  }
0x44: {  	_ =	swait.ge [sflag:s4], $0x4000;
	s16 =	simm.s32 @!p0 $0x0  }
0x45: {  	[sflag:s4] =	ssyncset.done $0x0;
	s17 =	sshll.u32 s16, $0xE  }
0x46: {  	[sflag:s4] =	ssyncadd.s32 $0xFFFFC000;
	s17 =	sor.u32 $0x40, s17  }
0x47: {  	s16 =	smul.u32 $0x10200, s16;
	v0 =	vld [tilespmem:s17+$0x30]  }
0x48: {  	v1 =	vld [tilespmem:s17+$0xFFFFFFD0]  }
0x49: {  	s16 =	sshrl.u32 s16, $0x2;
	v5 =	vld [tilespmem:s17+$0xFFFFFFE0]  }
0x4a: {  	v6 =	vld [tilespmem:s17+$0xFFFFFFF0];
	s19 =	sor.u32 $0x8000, s16  }
0x4b: {  	s31 =	sand.u32 $0x1, s13;
	v4 =	vld [tilespmem:s17+$0x0];
	s18 =	sadd.s32 $0x0, s19  }
0x4c: {  	v3 =	vld [tilespmem:s17+$0x10];
	s16 =	smul.u32 $0x10200, s31;
	[tilespmem:s18+$0x3870 ss:$0x81] =	vst.msk $0xffff, v0  }
0x4d: {  	v2 =	vld [tilespmem:s17+$0x20];
	[tilespmem:s18+$0x810 ss:$0x81] =	vst.msk $0xffff, v1  }
0x4e: {  	s16 =	sshrl.u32 s16, $0x2;
	v1 =	vld [tilespmem:s17+$0xFFFFFFC0];
	[tilespmem:s18+$0x1020 ss:$0x81] =	vst.msk $0xffff, v5;
	s17 =	sadd.s32 $0x80, s17  }
0x4f: {  	s20 =	simm.s32 $0x4;
	s21 =	simm.s32 $0x8;
	s16 =	sor.u32 $0x8000, s16;
	[tilespmem:s18+$0x1830 ss:$0x81] =	vst.msk $0xffff, v6;
	v0 =	vld [tilespmem:s17+$0x30]  }
.LBB1_3:
0x50: {  	p1 =	sne.s32 s21, $0x1FC;
	v5 =	vld [tilespmem:s17+$0xFFFFFFD0];
	[tilespmem:s18+$0x2040 ss:$0x81] =	vst.msk $0xffff, v4  }
0x51: {  	v6 =	vld [tilespmem:s17+$0xFFFFFFE0];
	[tilespmem:s18+$0x2850 ss:$0x81] =	vst.msk $0xffff, v3  }
0x52: {  	s22 =	sshra.s32 s20, $0x2;
	s20 =	smov.u32 s21;
	v7 =	vld [tilespmem:s17+$0xFFFFFFF0];
	[tilespmem:s18+$0x3060 ss:$0x81] =	vst.msk $0xffff, v2  }
.Ltmp3:
0x53: {  	v4 =	vld [tilespmem:s17+$0x0];
	[tilespmem:s18+$0x0 ss:$0x81] =	vst.msk $0xffff, v1;
	s18 =	sadd.s32 s22, s19;
	(pc) =	sbr.rel @p1 .LBB1_3-.Ltmp3, $4  }
0x54: {  	v3 =	vld [tilespmem:s17+$0x10];
	[tilespmem:s18+$0x3870 ss:$0x81] =	vst.msk $0xffff, v0  }
0x55: {  	[tilespmem:s18+$0x810 ss:$0x81] =	vst.msk $0xffff, v5;
	v2 =	vld [tilespmem:s17+$0x20]  }
0x56: {  	v1 =	vld [tilespmem:s17+$0xFFFFFFC0];
	[tilespmem:s18+$0x1020 ss:$0x81] =	vst.msk $0xffff, v6;
	s17 =	sadd.s32 $0x80, s17  }
0x57: {  	s21 =	sadd.s32 $0x4, s21;
	v0 =	vld [tilespmem:s17+$0x30];
	[tilespmem:s18+$0x1830 ss:$0x81] =	vst.msk $0xffff, v7  }
.Ltmp4:
0x58: {  	_ = 	snop;
	(pc) =	sbr.rel .LBB1_4-.Ltmp4, $1  }
0x59: {  	_ =	sdelay $0x3  }
.LBB1_6:
0x5a: {  	_ =	sfence.sel $0x180000  }
0x5b: {  	s2 =	simm.s32 $0x1;
	[bflag:$0x0] =	sbarrier.arrive $0xFFFF  }
0x5c: {  	s31 =	simm.s32 $0x2;
	[sflag:s2] =	ssyncpa.u1 $0x1  }
0x5d: {  	[sflag:s31] =	ssyncpa.u1 $0x1  }
0x5e: {  	p0 =	sne.s32 s0, $0x0;
	_ =	strace $0x9000004A  }
0x5f: {  	s0 =	sadd.s32 @!p0 $0x100000, s1;
	[bflag:$0x2] =	sbarrier.arrive $0xFFFF  }
0x60: {  	[sflag:s0] =	ssyncadd.tile.s32 @!p0 $0x1;
	_ =	shalt  }
.Lfunc_end1:
_tile_overlayer_lowered:
.L_overlay_start_2:
0x61: {  	(tag) =	ssettag $0x2  }
0x62: {  	s0 =	rddreg [dreg:$0x0];
	s2 =	stileid.u32  }
0x63: {  	s1 =	rddreg [dreg:$0x1];
	p0 =	sne.s32 s2, $0x0  }
0x64: {  	s3 =	rddreg [dreg:$0x2];
	[bflag:$0x3] =	sbarrier.arrive $0xFFFF;
	s2 =	simm.s32 @!p0 $0x1C01  }
0x65: {  	[timem:s3], [sflag:s2] =	dma.local @!p0 [hbm:s0], s1  }
0x66: {  	s0 =	simm.s32 @!p0 $0x1  }
0x67: {  	_ =	swait.ge @!p0 [sflag:s0], s1  }
0x68: {  	s1 =	ssub.s32 @!p0 $0x0, s1;
	[sflag:s0] =	ssyncset.done @!p0 $0x0  }
0x69: {  	[sflag:s0] =	ssyncadd.s32 @!p0 s1  }
0x6a: {  	[bflag:$0x3] =	sbarrier.arrive $0xFFFF  }
0x6b: {  	_ =	shalt  }

</sc_bundles>
